<compile_context>
chip_gen: v7x
topology: tpu7x:2x2x1
jax: 0.10.2.dev20260603
libtpu: 0.0.44.dev20260713+nightly
codegen_flags: <defaults>
</compile_context>

<pallas_src>
import jax
import jax.numpy as jnp
from jax import lax
from jax.experimental import pallas as pl
from jax.experimental.pallas import tpu as pltpu
from jax.experimental.pallas import tpu_sc as plsc

EMBED_DIM = 128
BATCH = 16384

NC = 2
NS = 16
NW = NC * NS
BPW = BATCH // NW
CHUNK = 128
NCH = BPW // CHUNK
NBUF = 7


def _body(idx_hbm, p_tab, g_tab, out_p, out_g,
          idx_v, rows_v, gsems, wsems):
    wid = lax.axis_index("s") * NC + lax.axis_index("c")
    base = wid * BPW

    pltpu.sync_copy(idx_hbm.at[wid], idx_v)

    tabs = [p_tab, g_tab]
    outs = [out_p, out_g]

    def gather(t, j, buf):
        return pltpu.async_copy(tabs[t].at[idx_v.at[t, j]], rows_v.at[buf],
                                gsems.at[buf])

    def writeback(t, j, buf):
        return pltpu.async_copy(rows_v.at[buf],
                                outs[t].at[pl.ds(base + j * CHUNK, CHUNK)],
                                wsems.at[buf])

    work = [(t, j) for t in range(2) for j in range(NCH)]
    n = len(work)

    hg = [None] * NBUF
    hw = [None] * NBUF
    for i in range(min(NBUF, n)):
        hg[i] = gather(*work[i], i)

    for i in range(n):
        buf = i % NBUF
        hg[buf].wait()
        hw[buf] = writeback(*work[i], buf)
        nxt = i + NBUF
        if nxt < n:
            hw[buf].wait()
            hg[buf] = gather(*work[nxt], buf)

    for i in range(max(0, n - NBUF), n):
        hw[i % NBUF].wait()


def kernel(edges_protein, edges_gene, protein_table, gene_table):
    idx_p = edges_protein.astype(jnp.int32).reshape(NW, 1, NCH, CHUNK)
    idx_g = edges_gene.astype(jnp.int32).reshape(NW, 1, NCH, CHUNK)
    idx_all = jnp.concatenate([idx_p, idx_g], axis=1)

    mesh = plsc.VectorSubcoreMesh(core_axis_name="c", subcore_axis_name="s")
    run = pl.kernel(
        _body,
        out_type=(
            jax.ShapeDtypeStruct((BATCH, EMBED_DIM), jnp.float32),
            jax.ShapeDtypeStruct((BATCH, EMBED_DIM), jnp.float32),
        ),
        mesh=mesh,
        scratch_types=[
            pltpu.VMEM((2, NCH, CHUNK), jnp.int32),
            pltpu.VMEM((NBUF, CHUNK, EMBED_DIM), jnp.float32),
            pltpu.SemaphoreType.DMA((NBUF,)),
            pltpu.SemaphoreType.DMA((NBUF,)),
        ],
    )
    return run(idx_all, protein_table, gene_table)

# --- scband reference (transcript-rebuilt; emitter-appended) ---
"""Pipeline reference for scband-bipartite-embedding-model-28509992911039 (READ-ONLY COPY).

The authoritative reference and input builder live on the scoring server;
editing this copy changes nothing except your own understanding.
"""

import jax, jax.numpy as jnp
import numpy as np

NUM_PROTEINS = 100000
NUM_GENES = 100000
EMBED_DIM = 128
BATCH = 16384


def setup_inputs(seed: int = 0) -> dict:
    key = jax.random.key(seed)
    k1, k2, k3, k4 = jax.random.split(key, 4)
    # prior_cell_embedding copied into protein table at init
    protein_table = jax.random.normal(k1, (NUM_PROTEINS, EMBED_DIM), dtype=jnp.float32)
    # xavier_uniform for gene table: bound = sqrt(6/(fan_in+fan_out))
    bound = float(np.sqrt(6.0 / (NUM_GENES + EMBED_DIM)))
    gene_table = jax.random.uniform(k2, (NUM_GENES, EMBED_DIM), dtype=jnp.float32, minval=-bound, maxval=bound)
    edges_protein = jax.random.randint(k3, (BATCH,), 0, NUM_PROTEINS, dtype=jnp.int64 if jax.config.jax_enable_x64 else jnp.int32)
    edges_gene = jax.random.randint(k4, (BATCH,), 0, NUM_GENES, dtype=jnp.int64 if jax.config.jax_enable_x64 else jnp.int32)
    return {
        "edges_protein": edges_protein,
        "edges_gene": edges_gene,
        "protein_table": protein_table,
        "gene_table": gene_table,
    }


def reference(edges_protein, edges_gene, protein_table, gene_table):
    p_vec = jnp.take(protein_table, edges_protein, axis=0)
    g_vec = jnp.take(gene_table, edges_gene, axis=0)
    return (p_vec, g_vec)

if __name__ == "__main__":
    import jax
    _d = setup_inputs()
    print(jax.jit(kernel)(*tuple(_d.values())))

</pallas_src>

<mosaic_0001>
#map = affine_map<(d0, d1) -> (0, 0, 0, 0)>
#map1 = affine_map<(d0, d1) -> (0, 0)>
module attributes {stable_mosaic.version = 14 : i64} {
  func.func @_body(%arg0: i32, %arg1: i32, %arg2: memref<32x2x4x128xi32, #tpu.memory_space<hbm>>, %arg3: memref<100000x128xf32, #tpu.memory_space<hbm>>, %arg4: memref<100000x128xf32, #tpu.memory_space<hbm>>, %arg5: memref<16384x128xf32, #tpu.memory_space<hbm>>, %arg6: memref<16384x128xf32, #tpu.memory_space<hbm>>, %arg7: memref<2x4x128xi32, #tpu.memory_space<vmem>>, %arg8: memref<7x128x128xf32, #tpu.memory_space<vmem>>, %arg9: memref<7x!tpu.dma_semaphore, #tpu.memory_space<semaphore_mem>>, %arg10: memref<7x!tpu.dma_semaphore, #tpu.memory_space<semaphore_mem>>) attributes {dimension_semantics = [#tpu.dimension_semantics<core_parallel>, #tpu.dimension_semantics<subcore_parallel>], iteration_bounds = array<i64: 2, 16>, scalar_prefetch = 0 : i64, scratch_operands = 4 : i64, tpu.core_type = #tpu.core_type<sc_vector_subcore>, window_params = [{transform_indices = #map}, {transform_indices = #map1}, {transform_indices = #map1}, {transform_indices = #map1}, {transform_indices = #map1}]} {
    %mul3A = arith.constant 2 : i32
    %mul3A_0 = arith.muli %arg1, %mul3A : i32
    %add3A = arith.addi %mul3A_0, %arg0 : i32
    %mul3A_1 = arith.constant 512 : i32
    %mul3A_2 = arith.muli %add3A, %mul3A_1 : i32
    "tpu.region"() ({
      %run_scoped3A = tpu.sem_alloc : memref<!tpu.dma_semaphore, #tpu.memory_space<semaphore_mem>>
      %dma_start3A_529 = arith.constant 0 : i32
      %dma_start3A_530 = arith.constant 0 : i32
      %dma_start3A_531 = arith.constant 0 : i32
      %dma_start3A_532 = tpu.memref_slice %arg2[%add3A, %dma_start3A_529, %dma_start3A_530, %dma_start3A_531] : memref<32x2x4x128xi32, #tpu.memory_space<hbm>> -> memref<1x2x4x128xi32, #tpu.memory_space<hbm>>
      %dma_start3A_533 = tpu.memref_squeeze %dma_start3A_532 : memref<1x2x4x128xi32, #tpu.memory_space<hbm>> -> memref<2x4x128xi32, #tpu.memory_space<hbm>>
      %dma_start3A_534 = arith.constant 0 : i32
      %dma_start3A_535 = arith.constant 0 : i32
      %dma_start3A_536 = arith.constant 0 : i32
      %dma_start3A_537 = tpu.memref_slice %arg2[%add3A, %dma_start3A_534, %dma_start3A_535, %dma_start3A_536] : memref<32x2x4x128xi32, #tpu.memory_space<hbm>> -> memref<1x2x4x128xi32, #tpu.memory_space<hbm>>
      %dma_start3A_538 = tpu.memref_squeeze %dma_start3A_537 : memref<1x2x4x128xi32, #tpu.memory_space<hbm>> -> memref<2x4x128xi32, #tpu.memory_space<hbm>>
      tpu.enqueue_dma source(%dma_start3A_538 : memref<2x4x128xi32, #tpu.memory_space<hbm>>) target(%arg7 : memref<2x4x128xi32, #tpu.memory_space<vmem>>) target_semaphore(%run_scoped3A : memref<!tpu.dma_semaphore, #tpu.memory_space<semaphore_mem>>)
      %dma_wait3A_539 = arith.constant 0 : i32
      %dma_wait3A_540 = arith.constant 0 : i32
      %dma_wait3A_541 = arith.constant 0 : i32
      %dma_wait3A_542 = tpu.memref_slice %arg2[%add3A, %dma_wait3A_539, %dma_wait3A_540, %dma_wait3A_541] : memref<32x2x4x128xi32, #tpu.memory_space<hbm>> -> memref<1x2x4x128xi32, #tpu.memory_space<hbm>>
      %dma_wait3A_543 = tpu.memref_squeeze %dma_wait3A_542 : memref<1x2x4x128xi32, #tpu.memory_space<hbm>> -> memref<2x4x128xi32, #tpu.memory_space<hbm>>
      %dma_wait3A_544 = arith.constant 0 : i32
      %dma_wait3A_545 = arith.constant 0 : i32
      %dma_wait3A_546 = arith.constant 0 : i32
      %dma_wait3A_547 = tpu.memref_slice %arg2[%add3A, %dma_wait3A_544, %dma_wait3A_545, %dma_wait3A_546] : memref<32x2x4x128xi32, #tpu.memory_space<hbm>> -> memref<1x2x4x128xi32, #tpu.memory_space<hbm>>
      %dma_wait3A_548 = tpu.memref_squeeze %dma_wait3A_547 : memref<1x2x4x128xi32, #tpu.memory_space<hbm>> -> memref<2x4x128xi32, #tpu.memory_space<hbm>>
      tpu.wait_dma2 semaphore(%run_scoped3A : memref<!tpu.dma_semaphore, #tpu.memory_space<semaphore_mem>>) src(%dma_wait3A_548 : memref<2x4x128xi32, #tpu.memory_space<hbm>>) dst(%arg7 : memref<2x4x128xi32, #tpu.memory_space<vmem>>)
      tpu.yield
    }) : () -> ()
    %dma_start3A = arith.constant 0 : i32
    %dma_start3A_3 = arith.constant 0 : i32
    %dma_start3A_4 = arith.constant 0 : i32
    %dma_start3A_5 = arith.constant 0 : i32
    %dma_start3A_6 = arith.constant 0 : i32
    %dma_start3A_7 = arith.constant 0 : i32
    %dma_start3A_8 = tpu.memref_slice %arg8[%dma_start3A_4, %dma_start3A_6, %dma_start3A_7] : memref<7x128x128xf32, #tpu.memory_space<vmem>> -> memref<1x128x128xf32, #tpu.memory_space<vmem>>
    %dma_start3A_9 = tpu.memref_squeeze %dma_start3A_8 : memref<1x128x128xf32, #tpu.memory_space<vmem>> -> memref<128x128xf32, #tpu.memory_space<vmem>>
    %dma_start3A_10 = arith.constant 0 : i32
    %dma_start3A_11 = tpu.memref_slice %arg7[%dma_start3A, %dma_start3A_3, %dma_start3A_10] : memref<2x4x128xi32, #tpu.memory_space<vmem>> -> memref<1x1x128xi32, #tpu.memory_space<vmem>>
    %dma_start3A_12 = tpu.memref_squeeze %dma_start3A_11 : memref<1x1x128xi32, #tpu.memory_space<vmem>> -> memref<128xi32, #tpu.memory_space<vmem>>
    %dma_start3A_13 = arith.constant 0 : i32
    %dma_start3A_14 = arith.constant 0 : i32
    %dma_start3A_15 = tpu.memref_slice %arg3[%dma_start3A_13, %dma_start3A_14] : memref<100000x128xf32, #tpu.memory_space<hbm>> -> memref<100000x128xf32, #tpu.memory_space<hbm>>
    %dma_start3A_16 = tpu.memref_slice %arg9[%dma_start3A_5] : memref<7x!tpu.dma_semaphore, #tpu.memory_space<semaphore_mem>> -> memref<1x!tpu.dma_semaphore, #tpu.memory_space<semaphore_mem>>
    %dma_start3A_17 = tpu.memref_squeeze %dma_start3A_16 : memref<1x!tpu.dma_semaphore, #tpu.memory_space<semaphore_mem>> -> memref<!tpu.dma_semaphore, #tpu.memory_space<semaphore_mem>>
    tpu.enqueue_indirect_dma source(%dma_start3A_15 : memref<100000x128xf32, #tpu.memory_space<hbm>>) target(%dma_start3A_9 : memref<128x128xf32, #tpu.memory_space<vmem>>) offsets(%dma_start3A_12 : memref<128xi32, #tpu.memory_space<vmem>>) semaphore(%dma_start3A_17 : memref<!tpu.dma_semaphore, #tpu.memory_space<semaphore_mem>>)
    %dma_start3A_18 = arith.constant 0 : i32
    %dma_start3A_19 = arith.constant 1 : i32
    %dma_start3A_20 = arith.constant 1 : i32
    %dma_start3A_21 = arith.constant 1 : i32
    %dma_start3A_22 = arith.constant 0 : i32
    %dma_start3A_23 = arith.constant 0 : i32
    %dma_start3A_24 = tpu.memref_slice %arg8[%dma_start3A_20, %dma_start3A_22, %dma_start3A_23] : memref<7x128x128xf32, #tpu.memory_space<vmem>> -> memref<1x128x128xf32, #tpu.memory_space<vmem>>
    %dma_start3A_25 = tpu.memref_squeeze %dma_start3A_24 : memref<1x128x128xf32, #tpu.memory_space<vmem>> -> memref<128x128xf32, #tpu.memory_space<vmem>>
    %dma_start3A_26 = arith.constant 0 : i32
    %dma_start3A_27 = tpu.memref_slice %arg7[%dma_start3A_18, %dma_start3A_19, %dma_start3A_26] : memref<2x4x128xi32, #tpu.memory_space<vmem>> -> memref<1x1x128xi32, #tpu.memory_space<vmem>>
    %dma_start3A_28 = tpu.memref_squeeze %dma_start3A_27 : memref<1x1x128xi32, #tpu.memory_space<vmem>> -> memref<128xi32, #tpu.memory_space<vmem>>
    %dma_start3A_29 = arith.constant 0 : i32
    %dma_start3A_30 = arith.constant 0 : i32
    %dma_start3A_31 = tpu.memref_slice %arg3[%dma_start3A_29, %dma_start3A_30] : memref<100000x128xf32, #tpu.memory_space<hbm>> -> memref<100000x128xf32, #tpu.memory_space<hbm>>
    %dma_start3A_32 = tpu.memref_slice %arg9[%dma_start3A_21] : memref<7x!tpu.dma_semaphore, #tpu.memory_space<semaphore_mem>> -> memref<1x!tpu.dma_semaphore, #tpu.memory_space<semaphore_mem>>
    %dma_start3A_33 = tpu.memref_squeeze %dma_start3A_32 : memref<1x!tpu.dma_semaphore, #tpu.memory_space<semaphore_mem>> -> memref<!tpu.dma_semaphore, #tpu.memory_space<semaphore_mem>>
    tpu.enqueue_indirect_dma source(%dma_start3A_31 : memref<100000x128xf32, #tpu.memory_space<hbm>>) target(%dma_start3A_25 : memref<128x128xf32, #tpu.memory_space<vmem>>) offsets(%dma_start3A_28 : memref<128xi32, #tpu.memory_space<vmem>>) semaphore(%dma_start3A_33 : memref<!tpu.dma_semaphore, #tpu.memory_space<semaphore_mem>>)
    %dma_start3A_34 = arith.constant 0 : i32
    %dma_start3A_35 = arith.constant 2 : i32
    %dma_start3A_36 = arith.constant 2 : i32
    %dma_start3A_37 = arith.constant 2 : i32
    %dma_start3A_38 = arith.constant 0 : i32
    %dma_start3A_39 = arith.constant 0 : i32
    %dma_start3A_40 = tpu.memref_slice %arg8[%dma_start3A_36, %dma_start3A_38, %dma_start3A_39] : memref<7x128x128xf32, #tpu.memory_space<vmem>> -> memref<1x128x128xf32, #tpu.memory_space<vmem>>
    %dma_start3A_41 = tpu.memref_squeeze %dma_start3A_40 : memref<1x128x128xf32, #tpu.memory_space<vmem>> -> memref<128x128xf32, #tpu.memory_space<vmem>>
    %dma_start3A_42 = arith.constant 0 : i32
    %dma_start3A_43 = tpu.memref_slice %arg7[%dma_start3A_34, %dma_start3A_35, %dma_start3A_42] : memref<2x4x128xi32, #tpu.memory_space<vmem>> -> memref<1x1x128xi32, #tpu.memory_space<vmem>>
    %dma_start3A_44 = tpu.memref_squeeze %dma_start3A_43 : memref<1x1x128xi32, #tpu.memory_space<vmem>> -> memref<128xi32, #tpu.memory_space<vmem>>
    %dma_start3A_45 = arith.constant 0 : i32
    %dma_start3A_46 = arith.constant 0 : i32
    %dma_start3A_47 = tpu.memref_slice %arg3[%dma_start3A_45, %dma_start3A_46] : memref<100000x128xf32, #tpu.memory_space<hbm>> -> memref<100000x128xf32, #tpu.memory_space<hbm>>
    %dma_start3A_48 = tpu.memref_slice %arg9[%dma_start3A_37] : memref<7x!tpu.dma_semaphore, #tpu.memory_space<semaphore_mem>> -> memref<1x!tpu.dma_semaphore, #tpu.memory_space<semaphore_mem>>
    %dma_start3A_49 = tpu.memref_squeeze %dma_start3A_48 : memref<1x!tpu.dma_semaphore, #tpu.memory_space<semaphore_mem>> -> memref<!tpu.dma_semaphore, #tpu.memory_space<semaphore_mem>>
    tpu.enqueue_indirect_dma source(%dma_start3A_47 : memref<100000x128xf32, #tpu.memory_space<hbm>>) target(%dma_start3A_41 : memref<128x128xf32, #tpu.memory_space<vmem>>) offsets(%dma_start3A_44 : memref<128xi32, #tpu.memory_space<vmem>>) semaphore(%dma_start3A_49 : memref<!tpu.dma_semaphore, #tpu.memory_space<semaphore_mem>>)
    %dma_start3A_50 = arith.constant 0 : i32
    %dma_start3A_51 = arith.constant 3 : i32
    %dma_start3A_52 = arith.constant 3 : i32
    %dma_start3A_53 = arith.constant 3 : i32
    %dma_start3A_54 = arith.constant 0 : i32
    %dma_start3A_55 = arith.constant 0 : i32
    %dma_start3A_56 = tpu.memref_slice %arg8[%dma_start3A_52, %dma_start3A_54, %dma_start3A_55] : memref<7x128x128xf32, #tpu.memory_space<vmem>> -> memref<1x128x128xf32, #tpu.memory_space<vmem>>
    %dma_start3A_57 = tpu.memref_squeeze %dma_start3A_56 : memref<1x128x128xf32, #tpu.memory_space<vmem>> -> memref<128x128xf32, #tpu.memory_space<vmem>>
    %dma_start3A_58 = arith.constant 0 : i32
    %dma_start3A_59 = tpu.memref_slice %arg7[%dma_start3A_50, %dma_start3A_51, %dma_start3A_58] : memref<2x4x128xi32, #tpu.memory_space<vmem>> -> memref<1x1x128xi32, #tpu.memory_space<vmem>>
    %dma_start3A_60 = tpu.memref_squeeze %dma_start3A_59 : memref<1x1x128xi32, #tpu.memory_space<vmem>> -> memref<128xi32, #tpu.memory_space<vmem>>
    %dma_start3A_61 = arith.constant 0 : i32
    %dma_start3A_62 = arith.constant 0 : i32
    %dma_start3A_63 = tpu.memref_slice %arg3[%dma_start3A_61, %dma_start3A_62] : memref<100000x128xf32, #tpu.memory_space<hbm>> -> memref<100000x128xf32, #tpu.memory_space<hbm>>
    %dma_start3A_64 = tpu.memref_slice %arg9[%dma_start3A_53] : memref<7x!tpu.dma_semaphore, #tpu.memory_space<semaphore_mem>> -> memref<1x!tpu.dma_semaphore, #tpu.memory_space<semaphore_mem>>
    %dma_start3A_65 = tpu.memref_squeeze %dma_start3A_64 : memref<1x!tpu.dma_semaphore, #tpu.memory_space<semaphore_mem>> -> memref<!tpu.dma_semaphore, #tpu.memory_space<semaphore_mem>>
    tpu.enqueue_indirect_dma source(%dma_start3A_63 : memref<100000x128xf32, #tpu.memory_space<hbm>>) target(%dma_start3A_57 : memref<128x128xf32, #tpu.memory_space<vmem>>) offsets(%dma_start3A_60 : memref<128xi32, #tpu.memory_space<vmem>>) semaphore(%dma_start3A_65 : memref<!tpu.dma_semaphore, #tpu.memory_space<semaphore_mem>>)
    %dma_start3A_66 = arith.constant 1 : i32
    %dma_start3A_67 = arith.constant 0 : i32
    %dma_start3A_68 = arith.constant 4 : i32
    %dma_start3A_69 = arith.constant 4 : i32
    %dma_start3A_70 = arith.constant 0 : i32
    %dma_start3A_71 = arith.constant 0 : i32
    %dma_start3A_72 = tpu.memref_slice %arg8[%dma_start3A_68, %dma_start3A_70, %dma_start3A_71] : memref<7x128x128xf32, #tpu.memory_space<vmem>> -> memref<1x128x128xf32, #tpu.memory_space<vmem>>
    %dma_start3A_73 = tpu.memref_squeeze %dma_start3A_72 : memref<1x128x128xf32, #tpu.memory_space<vmem>> -> memref<128x128xf32, #tpu.memory_space<vmem>>
    %dma_start3A_74 = arith.constant 0 : i32
    %dma_start3A_75 = tpu.memref_slice %arg7[%dma_start3A_66, %dma_start3A_67, %dma_start3A_74] : memref<2x4x128xi32, #tpu.memory_space<vmem>> -> memref<1x1x128xi32, #tpu.memory_space<vmem>>
    %dma_start3A_76 = tpu.memref_squeeze %dma_start3A_75 : memref<1x1x128xi32, #tpu.memory_space<vmem>> -> memref<128xi32, #tpu.memory_space<vmem>>
    %dma_start3A_77 = arith.constant 0 : i32
    %dma_start3A_78 = arith.constant 0 : i32
    %dma_start3A_79 = tpu.memref_slice %arg4[%dma_start3A_77, %dma_start3A_78] : memref<100000x128xf32, #tpu.memory_space<hbm>> -> memref<100000x128xf32, #tpu.memory_space<hbm>>
    %dma_start3A_80 = tpu.memref_slice %arg9[%dma_start3A_69] : memref<7x!tpu.dma_semaphore, #tpu.memory_space<semaphore_mem>> -> memref<1x!tpu.dma_semaphore, #tpu.memory_space<semaphore_mem>>
    %dma_start3A_81 = tpu.memref_squeeze %dma_start3A_80 : memref<1x!tpu.dma_semaphore, #tpu.memory_space<semaphore_mem>> -> memref<!tpu.dma_semaphore, #tpu.memory_space<semaphore_mem>>
    tpu.enqueue_indirect_dma source(%dma_start3A_79 : memref<100000x128xf32, #tpu.memory_space<hbm>>) target(%dma_start3A_73 : memref<128x128xf32, #tpu.memory_space<vmem>>) offsets(%dma_start3A_76 : memref<128xi32, #tpu.memory_space<vmem>>) semaphore(%dma_start3A_81 : memref<!tpu.dma_semaphore, #tpu.memory_space<semaphore_mem>>)
    %dma_start3A_82 = arith.constant 1 : i32
    %dma_start3A_83 = arith.constant 1 : i32
    %dma_start3A_84 = arith.constant 5 : i32
    %dma_start3A_85 = arith.constant 5 : i32
    %dma_start3A_86 = arith.constant 0 : i32
    %dma_start3A_87 = arith.constant 0 : i32
    %dma_start3A_88 = tpu.memref_slice %arg8[%dma_start3A_84, %dma_start3A_86, %dma_start3A_87] : memref<7x128x128xf32, #tpu.memory_space<vmem>> -> memref<1x128x128xf32, #tpu.memory_space<vmem>>
    %dma_start3A_89 = tpu.memref_squeeze %dma_start3A_88 : memref<1x128x128xf32, #tpu.memory_space<vmem>> -> memref<128x128xf32, #tpu.memory_space<vmem>>
    %dma_start3A_90 = arith.constant 0 : i32
    %dma_start3A_91 = tpu.memref_slice %arg7[%dma_start3A_82, %dma_start3A_83, %dma_start3A_90] : memref<2x4x128xi32, #tpu.memory_space<vmem>> -> memref<1x1x128xi32, #tpu.memory_space<vmem>>
    %dma_start3A_92 = tpu.memref_squeeze %dma_start3A_91 : memref<1x1x128xi32, #tpu.memory_space<vmem>> -> memref<128xi32, #tpu.memory_space<vmem>>
    %dma_start3A_93 = arith.constant 0 : i32
    %dma_start3A_94 = arith.constant 0 : i32
    %dma_start3A_95 = tpu.memref_slice %arg4[%dma_start3A_93, %dma_start3A_94] : memref<100000x128xf32, #tpu.memory_space<hbm>> -> memref<100000x128xf32, #tpu.memory_space<hbm>>
    %dma_start3A_96 = tpu.memref_slice %arg9[%dma_start3A_85] : memref<7x!tpu.dma_semaphore, #tpu.memory_space<semaphore_mem>> -> memref<1x!tpu.dma_semaphore, #tpu.memory_space<semaphore_mem>>
    %dma_start3A_97 = tpu.memref_squeeze %dma_start3A_96 : memref<1x!tpu.dma_semaphore, #tpu.memory_space<semaphore_mem>> -> memref<!tpu.dma_semaphore, #tpu.memory_space<semaphore_mem>>
    tpu.enqueue_indirect_dma source(%dma_start3A_95 : memref<100000x128xf32, #tpu.memory_space<hbm>>) target(%dma_start3A_89 : memref<128x128xf32, #tpu.memory_space<vmem>>) offsets(%dma_start3A_92 : memref<128xi32, #tpu.memory_space<vmem>>) semaphore(%dma_start3A_97 : memref<!tpu.dma_semaphore, #tpu.memory_space<semaphore_mem>>)
    %dma_start3A_98 = arith.constant 1 : i32
    %dma_start3A_99 = arith.constant 2 : i32
    %dma_start3A_100 = arith.constant 6 : i32
    %dma_start3A_101 = arith.constant 6 : i32
    %dma_start3A_102 = arith.constant 0 : i32
    %dma_start3A_103 = arith.constant 0 : i32
    %dma_start3A_104 = tpu.memref_slice %arg8[%dma_start3A_100, %dma_start3A_102, %dma_start3A_103] : memref<7x128x128xf32, #tpu.memory_space<vmem>> -> memref<1x128x128xf32, #tpu.memory_space<vmem>>
    %dma_start3A_105 = tpu.memref_squeeze %dma_start3A_104 : memref<1x128x128xf32, #tpu.memory_space<vmem>> -> memref<128x128xf32, #tpu.memory_space<vmem>>
    %dma_start3A_106 = arith.constant 0 : i32
    %dma_start3A_107 = tpu.memref_slice %arg7[%dma_start3A_98, %dma_start3A_99, %dma_start3A_106] : memref<2x4x128xi32, #tpu.memory_space<vmem>> -> memref<1x1x128xi32, #tpu.memory_space<vmem>>
    %dma_start3A_108 = tpu.memref_squeeze %dma_start3A_107 : memref<1x1x128xi32, #tpu.memory_space<vmem>> -> memref<128xi32, #tpu.memory_space<vmem>>
    %dma_start3A_109 = arith.constant 0 : i32
    %dma_start3A_110 = arith.constant 0 : i32
    %dma_start3A_111 = tpu.memref_slice %arg4[%dma_start3A_109, %dma_start3A_110] : memref<100000x128xf32, #tpu.memory_space<hbm>> -> memref<100000x128xf32, #tpu.memory_space<hbm>>
    %dma_start3A_112 = tpu.memref_slice %arg9[%dma_start3A_101] : memref<7x!tpu.dma_semaphore, #tpu.memory_space<semaphore_mem>> -> memref<1x!tpu.dma_semaphore, #tpu.memory_space<semaphore_mem>>
    %dma_start3A_113 = tpu.memref_squeeze %dma_start3A_112 : memref<1x!tpu.dma_semaphore, #tpu.memory_space<semaphore_mem>> -> memref<!tpu.dma_semaphore, #tpu.memory_space<semaphore_mem>>
    tpu.enqueue_indirect_dma source(%dma_start3A_111 : memref<100000x128xf32, #tpu.memory_space<hbm>>) target(%dma_start3A_105 : memref<128x128xf32, #tpu.memory_space<vmem>>) offsets(%dma_start3A_108 : memref<128xi32, #tpu.memory_space<vmem>>) semaphore(%dma_start3A_113 : memref<!tpu.dma_semaphore, #tpu.memory_space<semaphore_mem>>)
    %dma_wait3A = arith.constant 0 : i32
    %dma_wait3A_114 = arith.constant 0 : i32
    %dma_wait3A_115 = arith.constant 0 : i32
    %dma_wait3A_116 = arith.constant 0 : i32
    %dma_wait3A_117 = arith.constant 0 : i32
    %dma_wait3A_118 = arith.constant 0 : i32
    %dma_wait3A_119 = tpu.memref_slice %arg8[%dma_wait3A_115, %dma_wait3A_117, %dma_wait3A_118] : memref<7x128x128xf32, #tpu.memory_space<vmem>> -> memref<1x128x128xf32, #tpu.memory_space<vmem>>
    %dma_wait3A_120 = tpu.memref_squeeze %dma_wait3A_119 : memref<1x128x128xf32, #tpu.memory_space<vmem>> -> memref<128x128xf32, #tpu.memory_space<vmem>>
    %dma_wait3A_121 = arith.constant 0 : i32
    %dma_wait3A_122 = tpu.memref_slice %arg7[%dma_wait3A, %dma_wait3A_114, %dma_wait3A_121] : memref<2x4x128xi32, #tpu.memory_space<vmem>> -> memref<1x1x128xi32, #tpu.memory_space<vmem>>
    %dma_wait3A_123 = tpu.memref_squeeze %dma_wait3A_122 : memref<1x1x128xi32, #tpu.memory_space<vmem>> -> memref<128xi32, #tpu.memory_space<vmem>>
    %dma_wait3A_124 = arith.constant 0 : i32
    %dma_wait3A_125 = arith.constant 0 : i32
    %dma_wait3A_126 = tpu.memref_slice %arg3[%dma_wait3A_124, %dma_wait3A_125] : memref<100000x128xf32, #tpu.memory_space<hbm>> -> memref<100000x128xf32, #tpu.memory_space<hbm>>
    %dma_wait3A_127 = tpu.memref_slice %arg9[%dma_wait3A_116] : memref<7x!tpu.dma_semaphore, #tpu.memory_space<semaphore_mem>> -> memref<1x!tpu.dma_semaphore, #tpu.memory_space<semaphore_mem>>
    %dma_wait3A_128 = tpu.memref_squeeze %dma_wait3A_127 : memref<1x!tpu.dma_semaphore, #tpu.memory_space<semaphore_mem>> -> memref<!tpu.dma_semaphore, #tpu.memory_space<semaphore_mem>>
    tpu.wait_indirect_dma semaphore(%dma_wait3A_128 : memref<!tpu.dma_semaphore, #tpu.memory_space<semaphore_mem>>) src(%dma_wait3A_126 : memref<100000x128xf32, #tpu.memory_space<hbm>>) dst(%dma_wait3A_120 : memref<128x128xf32, #tpu.memory_space<vmem>>)
    %add3A_129 = arith.constant 0 : i32
    %add3A_130 = arith.addi %mul3A_2, %add3A_129 : i32
    %dma_start3A_131 = arith.constant 0 : i32
    %dma_start3A_132 = arith.constant 0 : i32
    %dma_start3A_133 = arith.constant 0 : i32
    %dma_start3A_134 = arith.constant 0 : i32
    %dma_start3A_135 = tpu.memref_slice %arg8[%dma_start3A_131, %dma_start3A_133, %dma_start3A_134] : memref<7x128x128xf32, #tpu.memory_space<vmem>> -> memref<1x128x128xf32, #tpu.memory_space<vmem>>
    %dma_start3A_136 = tpu.memref_squeeze %dma_start3A_135 : memref<1x128x128xf32, #tpu.memory_space<vmem>> -> memref<128x128xf32, #tpu.memory_space<vmem>>
    %dma_start3A_137 = arith.constant 0 : i32
    %dma_start3A_138 = tpu.memref_slice %arg5[%add3A_130, %dma_start3A_137] : memref<16384x128xf32, #tpu.memory_space<hbm>> -> memref<128x128xf32, #tpu.memory_space<hbm>>
    %dma_start3A_139 = tpu.memref_slice %arg10[%dma_start3A_132] : memref<7x!tpu.dma_semaphore, #tpu.memory_space<semaphore_mem>> -> memref<1x!tpu.dma_semaphore, #tpu.memory_space<semaphore_mem>>
    %dma_start3A_140 = tpu.memref_squeeze %dma_start3A_139 : memref<1x!tpu.dma_semaphore, #tpu.memory_space<semaphore_mem>> -> memref<!tpu.dma_semaphore, #tpu.memory_space<semaphore_mem>>
    %dma_start3A_141 = arith.constant 0 : i32
    %dma_start3A_142 = tpu.memref_slice %arg5[%add3A_130, %dma_start3A_141] : memref<16384x128xf32, #tpu.memory_space<hbm>> -> memref<128x128xf32, #tpu.memory_space<hbm>>
    %dma_start3A_143 = arith.constant 0 : i32
    %dma_start3A_144 = arith.constant 0 : i32
    %dma_start3A_145 = tpu.memref_slice %arg8[%dma_start3A_131, %dma_start3A_143, %dma_start3A_144] : memref<7x128x128xf32, #tpu.memory_space<vmem>> -> memref<1x128x128xf32, #tpu.memory_space<vmem>>
    %dma_start3A_146 = tpu.memref_squeeze %dma_start3A_145 : memref<1x128x128xf32, #tpu.memory_space<vmem>> -> memref<128x128xf32, #tpu.memory_space<vmem>>
    tpu.enqueue_dma source(%dma_start3A_146 : memref<128x128xf32, #tpu.memory_space<vmem>>) target(%dma_start3A_142 : memref<128x128xf32, #tpu.memory_space<hbm>>) target_semaphore(%dma_start3A_140 : memref<!tpu.dma_semaphore, #tpu.memory_space<semaphore_mem>>)
    %dma_wait3A_147 = arith.constant 0 : i32
    %dma_wait3A_148 = arith.constant 0 : i32
    %dma_wait3A_149 = arith.constant 0 : i32
    %dma_wait3A_150 = arith.constant 0 : i32
    %dma_wait3A_151 = tpu.memref_slice %arg8[%dma_wait3A_147, %dma_wait3A_149, %dma_wait3A_150] : memref<7x128x128xf32, #tpu.memory_space<vmem>> -> memref<1x128x128xf32, #tpu.memory_space<vmem>>
    %dma_wait3A_152 = tpu.memref_squeeze %dma_wait3A_151 : memref<1x128x128xf32, #tpu.memory_space<vmem>> -> memref<128x128xf32, #tpu.memory_space<vmem>>
    %dma_wait3A_153 = arith.constant 0 : i32
    %dma_wait3A_154 = tpu.memref_slice %arg5[%add3A_130, %dma_wait3A_153] : memref<16384x128xf32, #tpu.memory_space<hbm>> -> memref<128x128xf32, #tpu.memory_space<hbm>>
    %dma_wait3A_155 = tpu.memref_slice %arg10[%dma_wait3A_148] : memref<7x!tpu.dma_semaphore, #tpu.memory_space<semaphore_mem>> -> memref<1x!tpu.dma_semaphore, #tpu.memory_space<semaphore_mem>>
    %dma_wait3A_156 = tpu.memref_squeeze %dma_wait3A_155 : memref<1x!tpu.dma_semaphore, #tpu.memory_space<semaphore_mem>> -> memref<!tpu.dma_semaphore, #tpu.memory_space<semaphore_mem>>
    %dma_wait3A_157 = arith.constant 0 : i32
    %dma_wait3A_158 = tpu.memref_slice %arg5[%add3A_130, %dma_wait3A_157] : memref<16384x128xf32, #tpu.memory_space<hbm>> -> memref<128x128xf32, #tpu.memory_space<hbm>>
    %dma_wait3A_159 = arith.constant 0 : i32
    %dma_wait3A_160 = arith.constant 0 : i32
    %dma_wait3A_161 = tpu.memref_slice %arg8[%dma_wait3A_147, %dma_wait3A_159, %dma_wait3A_160] : memref<7x128x128xf32, #tpu.memory_space<vmem>> -> memref<1x128x128xf32, #tpu.memory_space<vmem>>
    %dma_wait3A_162 = tpu.memref_squeeze %dma_wait3A_161 : memref<1x128x128xf32, #tpu.memory_space<vmem>> -> memref<128x128xf32, #tpu.memory_space<vmem>>
    tpu.wait_dma2 semaphore(%dma_wait3A_156 : memref<!tpu.dma_semaphore, #tpu.memory_space<semaphore_mem>>) src(%dma_wait3A_162 : memref<128x128xf32, #tpu.memory_space<vmem>>) dst(%dma_wait3A_158 : memref<128x128xf32, #tpu.memory_space<hbm>>)
    %dma_start3A_163 = arith.constant 1 : i32
    %dma_start3A_164 = arith.constant 3 : i32
    %dma_start3A_165 = arith.constant 0 : i32
    %dma_start3A_166 = arith.constant 0 : i32
    %dma_start3A_167 = arith.constant 0 : i32
    %dma_start3A_168 = arith.constant 0 : i32
    %dma_start3A_169 = tpu.memref_slice %arg8[%dma_start3A_165, %dma_start3A_167, %dma_start3A_168] : memref<7x128x128xf32, #tpu.memory_space<vmem>> -> memref<1x128x128xf32, #tpu.memory_space<vmem>>
    %dma_start3A_170 = tpu.memref_squeeze %dma_start3A_169 : memref<1x128x128xf32, #tpu.memory_space<vmem>> -> memref<128x128xf32, #tpu.memory_space<vmem>>
    %dma_start3A_171 = arith.constant 0 : i32
    %dma_start3A_172 = tpu.memref_slice %arg7[%dma_start3A_163, %dma_start3A_164, %dma_start3A_171] : memref<2x4x128xi32, #tpu.memory_space<vmem>> -> memref<1x1x128xi32, #tpu.memory_space<vmem>>
    %dma_start3A_173 = tpu.memref_squeeze %dma_start3A_172 : memref<1x1x128xi32, #tpu.memory_space<vmem>> -> memref<128xi32, #tpu.memory_space<vmem>>
    %dma_start3A_174 = arith.constant 0 : i32
    %dma_start3A_175 = arith.constant 0 : i32
    %dma_start3A_176 = tpu.memref_slice %arg4[%dma_start3A_174, %dma_start3A_175] : memref<100000x128xf32, #tpu.memory_space<hbm>> -> memref<100000x128xf32, #tpu.memory_space<hbm>>
    %dma_start3A_177 = tpu.memref_slice %arg9[%dma_start3A_166] : memref<7x!tpu.dma_semaphore, #tpu.memory_space<semaphore_mem>> -> memref<1x!tpu.dma_semaphore, #tpu.memory_space<semaphore_mem>>
    %dma_start3A_178 = tpu.memref_squeeze %dma_start3A_177 : memref<1x!tpu.dma_semaphore, #tpu.memory_space<semaphore_mem>> -> memref<!tpu.dma_semaphore, #tpu.memory_space<semaphore_mem>>
    tpu.enqueue_indirect_dma source(%dma_start3A_176 : memref<100000x128xf32, #tpu.memory_space<hbm>>) target(%dma_start3A_170 : memref<128x128xf32, #tpu.memory_space<vmem>>) offsets(%dma_start3A_173 : memref<128xi32, #tpu.memory_space<vmem>>) semaphore(%dma_start3A_178 : memref<!tpu.dma_semaphore, #tpu.memory_space<semaphore_mem>>)
    %dma_wait3A_179 = arith.constant 0 : i32
    %dma_wait3A_180 = arith.constant 1 : i32
    %dma_wait3A_181 = arith.constant 1 : i32
    %dma_wait3A_182 = arith.constant 1 : i32
    %dma_wait3A_183 = arith.constant 0 : i32
    %dma_wait3A_184 = arith.constant 0 : i32
    %dma_wait3A_185 = tpu.memref_slice %arg8[%dma_wait3A_181, %dma_wait3A_183, %dma_wait3A_184] : memref<7x128x128xf32, #tpu.memory_space<vmem>> -> memref<1x128x128xf32, #tpu.memory_space<vmem>>
    %dma_wait3A_186 = tpu.memref_squeeze %dma_wait3A_185 : memref<1x128x128xf32, #tpu.memory_space<vmem>> -> memref<128x128xf32, #tpu.memory_space<vmem>>
    %dma_wait3A_187 = arith.constant 0 : i32
    %dma_wait3A_188 = tpu.memref_slice %arg7[%dma_wait3A_179, %dma_wait3A_180, %dma_wait3A_187] : memref<2x4x128xi32, #tpu.memory_space<vmem>> -> memref<1x1x128xi32, #tpu.memory_space<vmem>>
    %dma_wait3A_189 = tpu.memref_squeeze %dma_wait3A_188 : memref<1x1x128xi32, #tpu.memory_space<vmem>> -> memref<128xi32, #tpu.memory_space<vmem>>
    %dma_wait3A_190 = arith.constant 0 : i32
    %dma_wait3A_191 = arith.constant 0 : i32
    %dma_wait3A_192 = tpu.memref_slice %arg3[%dma_wait3A_190, %dma_wait3A_191] : memref<100000x128xf32, #tpu.memory_space<hbm>> -> memref<100000x128xf32, #tpu.memory_space<hbm>>
    %dma_wait3A_193 = tpu.memref_slice %arg9[%dma_wait3A_182] : memref<7x!tpu.dma_semaphore, #tpu.memory_space<semaphore_mem>> -> memref<1x!tpu.dma_semaphore, #tpu.memory_space<semaphore_mem>>
    %dma_wait3A_194 = tpu.memref_squeeze %dma_wait3A_193 : memref<1x!tpu.dma_semaphore, #tpu.memory_space<semaphore_mem>> -> memref<!tpu.dma_semaphore, #tpu.memory_space<semaphore_mem>>
    tpu.wait_indirect_dma semaphore(%dma_wait3A_194 : memref<!tpu.dma_semaphore, #tpu.memory_space<semaphore_mem>>) src(%dma_wait3A_192 : memref<100000x128xf32, #tpu.memory_space<hbm>>) dst(%dma_wait3A_186 : memref<128x128xf32, #tpu.memory_space<vmem>>)
    %add3A_195 = arith.constant 128 : i32
    %add3A_196 = arith.addi %mul3A_2, %add3A_195 : i32
    %dma_start3A_197 = arith.constant 1 : i32
    %dma_start3A_198 = arith.constant 1 : i32
    %dma_start3A_199 = arith.constant 0 : i32
    %dma_start3A_200 = arith.constant 0 : i32
    %dma_start3A_201 = tpu.memref_slice %arg8[%dma_start3A_197, %dma_start3A_199, %dma_start3A_200] : memref<7x128x128xf32, #tpu.memory_space<vmem>> -> memref<1x128x128xf32, #tpu.memory_space<vmem>>
    %dma_start3A_202 = tpu.memref_squeeze %dma_start3A_201 : memref<1x128x128xf32, #tpu.memory_space<vmem>> -> memref<128x128xf32, #tpu.memory_space<vmem>>
    %dma_start3A_203 = arith.constant 0 : i32
    %dma_start3A_204 = tpu.memref_slice %arg5[%add3A_196, %dma_start3A_203] : memref<16384x128xf32, #tpu.memory_space<hbm>> -> memref<128x128xf32, #tpu.memory_space<hbm>>
    %dma_start3A_205 = tpu.memref_slice %arg10[%dma_start3A_198] : memref<7x!tpu.dma_semaphore, #tpu.memory_space<semaphore_mem>> -> memref<1x!tpu.dma_semaphore, #tpu.memory_space<semaphore_mem>>
    %dma_start3A_206 = tpu.memref_squeeze %dma_start3A_205 : memref<1x!tpu.dma_semaphore, #tpu.memory_space<semaphore_mem>> -> memref<!tpu.dma_semaphore, #tpu.memory_space<semaphore_mem>>
    %dma_start3A_207 = arith.constant 0 : i32
    %dma_start3A_208 = tpu.memref_slice %arg5[%add3A_196, %dma_start3A_207] : memref<16384x128xf32, #tpu.memory_space<hbm>> -> memref<128x128xf32, #tpu.memory_space<hbm>>
    %dma_start3A_209 = arith.constant 0 : i32
    %dma_start3A_210 = arith.constant 0 : i32
    %dma_start3A_211 = tpu.memref_slice %arg8[%dma_start3A_197, %dma_start3A_209, %dma_start3A_210] : memref<7x128x128xf32, #tpu.memory_space<vmem>> -> memref<1x128x128xf32, #tpu.memory_space<vmem>>
    %dma_start3A_212 = tpu.memref_squeeze %dma_start3A_211 : memref<1x128x128xf32, #tpu.memory_space<vmem>> -> memref<128x128xf32, #tpu.memory_space<vmem>>
    tpu.enqueue_dma source(%dma_start3A_212 : memref<128x128xf32, #tpu.memory_space<vmem>>) target(%dma_start3A_208 : memref<128x128xf32, #tpu.memory_space<hbm>>) target_semaphore(%dma_start3A_206 : memref<!tpu.dma_semaphore, #tpu.memory_space<semaphore_mem>>)
    %dma_wait3A_213 = arith.constant 0 : i32
    %dma_wait3A_214 = arith.constant 2 : i32
    %dma_wait3A_215 = arith.constant 2 : i32
    %dma_wait3A_216 = arith.constant 2 : i32
    %dma_wait3A_217 = arith.constant 0 : i32
    %dma_wait3A_218 = arith.constant 0 : i32
    %dma_wait3A_219 = tpu.memref_slice %arg8[%dma_wait3A_215, %dma_wait3A_217, %dma_wait3A_218] : memref<7x128x128xf32, #tpu.memory_space<vmem>> -> memref<1x128x128xf32, #tpu.memory_space<vmem>>
    %dma_wait3A_220 = tpu.memref_squeeze %dma_wait3A_219 : memref<1x128x128xf32, #tpu.memory_space<vmem>> -> memref<128x128xf32, #tpu.memory_space<vmem>>
    %dma_wait3A_221 = arith.constant 0 : i32
    %dma_wait3A_222 = tpu.memref_slice %arg7[%dma_wait3A_213, %dma_wait3A_214, %dma_wait3A_221] : memref<2x4x128xi32, #tpu.memory_space<vmem>> -> memref<1x1x128xi32, #tpu.memory_space<vmem>>
    %dma_wait3A_223 = tpu.memref_squeeze %dma_wait3A_222 : memref<1x1x128xi32, #tpu.memory_space<vmem>> -> memref<128xi32, #tpu.memory_space<vmem>>
    %dma_wait3A_224 = arith.constant 0 : i32
    %dma_wait3A_225 = arith.constant 0 : i32
    %dma_wait3A_226 = tpu.memref_slice %arg3[%dma_wait3A_224, %dma_wait3A_225] : memref<100000x128xf32, #tpu.memory_space<hbm>> -> memref<100000x128xf32, #tpu.memory_space<hbm>>
    %dma_wait3A_227 = tpu.memref_slice %arg9[%dma_wait3A_216] : memref<7x!tpu.dma_semaphore, #tpu.memory_space<semaphore_mem>> -> memref<1x!tpu.dma_semaphore, #tpu.memory_space<semaphore_mem>>
    %dma_wait3A_228 = tpu.memref_squeeze %dma_wait3A_227 : memref<1x!tpu.dma_semaphore, #tpu.memory_space<semaphore_mem>> -> memref<!tpu.dma_semaphore, #tpu.memory_space<semaphore_mem>>
    tpu.wait_indirect_dma semaphore(%dma_wait3A_228 : memref<!tpu.dma_semaphore, #tpu.memory_space<semaphore_mem>>) src(%dma_wait3A_226 : memref<100000x128xf32, #tpu.memory_space<hbm>>) dst(%dma_wait3A_220 : memref<128x128xf32, #tpu.memory_space<vmem>>)
    %add3A_229 = arith.constant 256 : i32
    %add3A_230 = arith.addi %mul3A_2, %add3A_229 : i32
    %dma_start3A_231 = arith.constant 2 : i32
    %dma_start3A_232 = arith.constant 2 : i32
    %dma_start3A_233 = arith.constant 0 : i32
    %dma_start3A_234 = arith.constant 0 : i32
    %dma_start3A_235 = tpu.memref_slice %arg8[%dma_start3A_231, %dma_start3A_233, %dma_start3A_234] : memref<7x128x128xf32, #tpu.memory_space<vmem>> -> memref<1x128x128xf32, #tpu.memory_space<vmem>>
    %dma_start3A_236 = tpu.memref_squeeze %dma_start3A_235 : memref<1x128x128xf32, #tpu.memory_space<vmem>> -> memref<128x128xf32, #tpu.memory_space<vmem>>
    %dma_start3A_237 = arith.constant 0 : i32
    %dma_start3A_238 = tpu.memref_slice %arg5[%add3A_230, %dma_start3A_237] : memref<16384x128xf32, #tpu.memory_space<hbm>> -> memref<128x128xf32, #tpu.memory_space<hbm>>
    %dma_start3A_239 = tpu.memref_slice %arg10[%dma_start3A_232] : memref<7x!tpu.dma_semaphore, #tpu.memory_space<semaphore_mem>> -> memref<1x!tpu.dma_semaphore, #tpu.memory_space<semaphore_mem>>
    %dma_start3A_240 = tpu.memref_squeeze %dma_start3A_239 : memref<1x!tpu.dma_semaphore, #tpu.memory_space<semaphore_mem>> -> memref<!tpu.dma_semaphore, #tpu.memory_space<semaphore_mem>>
    %dma_start3A_241 = arith.constant 0 : i32
    %dma_start3A_242 = tpu.memref_slice %arg5[%add3A_230, %dma_start3A_241] : memref<16384x128xf32, #tpu.memory_space<hbm>> -> memref<128x128xf32, #tpu.memory_space<hbm>>
    %dma_start3A_243 = arith.constant 0 : i32
    %dma_start3A_244 = arith.constant 0 : i32
    %dma_start3A_245 = tpu.memref_slice %arg8[%dma_start3A_231, %dma_start3A_243, %dma_start3A_244] : memref<7x128x128xf32, #tpu.memory_space<vmem>> -> memref<1x128x128xf32, #tpu.memory_space<vmem>>
    %dma_start3A_246 = tpu.memref_squeeze %dma_start3A_245 : memref<1x128x128xf32, #tpu.memory_space<vmem>> -> memref<128x128xf32, #tpu.memory_space<vmem>>
    tpu.enqueue_dma source(%dma_start3A_246 : memref<128x128xf32, #tpu.memory_space<vmem>>) target(%dma_start3A_242 : memref<128x128xf32, #tpu.memory_space<hbm>>) target_semaphore(%dma_start3A_240 : memref<!tpu.dma_semaphore, #tpu.memory_space<semaphore_mem>>)
    %dma_wait3A_247 = arith.constant 0 : i32
    %dma_wait3A_248 = arith.constant 3 : i32
    %dma_wait3A_249 = arith.constant 3 : i32
    %dma_wait3A_250 = arith.constant 3 : i32
    %dma_wait3A_251 = arith.constant 0 : i32
    %dma_wait3A_252 = arith.constant 0 : i32
    %dma_wait3A_253 = tpu.memref_slice %arg8[%dma_wait3A_249, %dma_wait3A_251, %dma_wait3A_252] : memref<7x128x128xf32, #tpu.memory_space<vmem>> -> memref<1x128x128xf32, #tpu.memory_space<vmem>>
    %dma_wait3A_254 = tpu.memref_squeeze %dma_wait3A_253 : memref<1x128x128xf32, #tpu.memory_space<vmem>> -> memref<128x128xf32, #tpu.memory_space<vmem>>
    %dma_wait3A_255 = arith.constant 0 : i32
    %dma_wait3A_256 = tpu.memref_slice %arg7[%dma_wait3A_247, %dma_wait3A_248, %dma_wait3A_255] : memref<2x4x128xi32, #tpu.memory_space<vmem>> -> memref<1x1x128xi32, #tpu.memory_space<vmem>>
    %dma_wait3A_257 = tpu.memref_squeeze %dma_wait3A_256 : memref<1x1x128xi32, #tpu.memory_space<vmem>> -> memref<128xi32, #tpu.memory_space<vmem>>
    %dma_wait3A_258 = arith.constant 0 : i32
    %dma_wait3A_259 = arith.constant 0 : i32
    %dma_wait3A_260 = tpu.memref_slice %arg3[%dma_wait3A_258, %dma_wait3A_259] : memref<100000x128xf32, #tpu.memory_space<hbm>> -> memref<100000x128xf32, #tpu.memory_space<hbm>>
    %dma_wait3A_261 = tpu.memref_slice %arg9[%dma_wait3A_250] : memref<7x!tpu.dma_semaphore, #tpu.memory_space<semaphore_mem>> -> memref<1x!tpu.dma_semaphore, #tpu.memory_space<semaphore_mem>>
    %dma_wait3A_262 = tpu.memref_squeeze %dma_wait3A_261 : memref<1x!tpu.dma_semaphore, #tpu.memory_space<semaphore_mem>> -> memref<!tpu.dma_semaphore, #tpu.memory_space<semaphore_mem>>
    tpu.wait_indirect_dma semaphore(%dma_wait3A_262 : memref<!tpu.dma_semaphore, #tpu.memory_space<semaphore_mem>>) src(%dma_wait3A_260 : memref<100000x128xf32, #tpu.memory_space<hbm>>) dst(%dma_wait3A_254 : memref<128x128xf32, #tpu.memory_space<vmem>>)
    %add3A_263 = arith.constant 384 : i32
    %add3A_264 = arith.addi %mul3A_2, %add3A_263 : i32
    %dma_start3A_265 = arith.constant 3 : i32
    %dma_start3A_266 = arith.constant 3 : i32
    %dma_start3A_267 = arith.constant 0 : i32
    %dma_start3A_268 = arith.constant 0 : i32
    %dma_start3A_269 = tpu.memref_slice %arg8[%dma_start3A_265, %dma_start3A_267, %dma_start3A_268] : memref<7x128x128xf32, #tpu.memory_space<vmem>> -> memref<1x128x128xf32, #tpu.memory_space<vmem>>
    %dma_start3A_270 = tpu.memref_squeeze %dma_start3A_269 : memref<1x128x128xf32, #tpu.memory_space<vmem>> -> memref<128x128xf32, #tpu.memory_space<vmem>>
    %dma_start3A_271 = arith.constant 0 : i32
    %dma_start3A_272 = tpu.memref_slice %arg5[%add3A_264, %dma_start3A_271] : memref<16384x128xf32, #tpu.memory_space<hbm>> -> memref<128x128xf32, #tpu.memory_space<hbm>>
    %dma_start3A_273 = tpu.memref_slice %arg10[%dma_start3A_266] : memref<7x!tpu.dma_semaphore, #tpu.memory_space<semaphore_mem>> -> memref<1x!tpu.dma_semaphore, #tpu.memory_space<semaphore_mem>>
    %dma_start3A_274 = tpu.memref_squeeze %dma_start3A_273 : memref<1x!tpu.dma_semaphore, #tpu.memory_space<semaphore_mem>> -> memref<!tpu.dma_semaphore, #tpu.memory_space<semaphore_mem>>
    %dma_start3A_275 = arith.constant 0 : i32
    %dma_start3A_276 = tpu.memref_slice %arg5[%add3A_264, %dma_start3A_275] : memref<16384x128xf32, #tpu.memory_space<hbm>> -> memref<128x128xf32, #tpu.memory_space<hbm>>
    %dma_start3A_277 = arith.constant 0 : i32
    %dma_start3A_278 = arith.constant 0 : i32
    %dma_start3A_279 = tpu.memref_slice %arg8[%dma_start3A_265, %dma_start3A_277, %dma_start3A_278] : memref<7x128x128xf32, #tpu.memory_space<vmem>> -> memref<1x128x128xf32, #tpu.memory_space<vmem>>
    %dma_start3A_280 = tpu.memref_squeeze %dma_start3A_279 : memref<1x128x128xf32, #tpu.memory_space<vmem>> -> memref<128x128xf32, #tpu.memory_space<vmem>>
    tpu.enqueue_dma source(%dma_start3A_280 : memref<128x128xf32, #tpu.memory_space<vmem>>) target(%dma_start3A_276 : memref<128x128xf32, #tpu.memory_space<hbm>>) target_semaphore(%dma_start3A_274 : memref<!tpu.dma_semaphore, #tpu.memory_space<semaphore_mem>>)
    %dma_wait3A_281 = arith.constant 1 : i32
    %dma_wait3A_282 = arith.constant 0 : i32
    %dma_wait3A_283 = arith.constant 4 : i32
    %dma_wait3A_284 = arith.constant 4 : i32
    %dma_wait3A_285 = arith.constant 0 : i32
    %dma_wait3A_286 = arith.constant 0 : i32
    %dma_wait3A_287 = tpu.memref_slice %arg8[%dma_wait3A_283, %dma_wait3A_285, %dma_wait3A_286] : memref<7x128x128xf32, #tpu.memory_space<vmem>> -> memref<1x128x128xf32, #tpu.memory_space<vmem>>
    %dma_wait3A_288 = tpu.memref_squeeze %dma_wait3A_287 : memref<1x128x128xf32, #tpu.memory_space<vmem>> -> memref<128x128xf32, #tpu.memory_space<vmem>>
    %dma_wait3A_289 = arith.constant 0 : i32
    %dma_wait3A_290 = tpu.memref_slice %arg7[%dma_wait3A_281, %dma_wait3A_282, %dma_wait3A_289] : memref<2x4x128xi32, #tpu.memory_space<vmem>> -> memref<1x1x128xi32, #tpu.memory_space<vmem>>
    %dma_wait3A_291 = tpu.memref_squeeze %dma_wait3A_290 : memref<1x1x128xi32, #tpu.memory_space<vmem>> -> memref<128xi32, #tpu.memory_space<vmem>>
    %dma_wait3A_292 = arith.constant 0 : i32
    %dma_wait3A_293 = arith.constant 0 : i32
    %dma_wait3A_294 = tpu.memref_slice %arg4[%dma_wait3A_292, %dma_wait3A_293] : memref<100000x128xf32, #tpu.memory_space<hbm>> -> memref<100000x128xf32, #tpu.memory_space<hbm>>
    %dma_wait3A_295 = tpu.memref_slice %arg9[%dma_wait3A_284] : memref<7x!tpu.dma_semaphore, #tpu.memory_space<semaphore_mem>> -> memref<1x!tpu.dma_semaphore, #tpu.memory_space<semaphore_mem>>
    %dma_wait3A_296 = tpu.memref_squeeze %dma_wait3A_295 : memref<1x!tpu.dma_semaphore, #tpu.memory_space<semaphore_mem>> -> memref<!tpu.dma_semaphore, #tpu.memory_space<semaphore_mem>>
    tpu.wait_indirect_dma semaphore(%dma_wait3A_296 : memref<!tpu.dma_semaphore, #tpu.memory_space<semaphore_mem>>) src(%dma_wait3A_294 : memref<100000x128xf32, #tpu.memory_space<hbm>>) dst(%dma_wait3A_288 : memref<128x128xf32, #tpu.memory_space<vmem>>)
    %add3A_297 = arith.constant 0 : i32
    %add3A_298 = arith.addi %mul3A_2, %add3A_297 : i32
    %dma_start3A_299 = arith.constant 4 : i32
    %dma_start3A_300 = arith.constant 4 : i32
    %dma_start3A_301 = arith.constant 0 : i32
    %dma_start3A_302 = arith.constant 0 : i32
    %dma_start3A_303 = tpu.memref_slice %arg8[%dma_start3A_299, %dma_start3A_301, %dma_start3A_302] : memref<7x128x128xf32, #tpu.memory_space<vmem>> -> memref<1x128x128xf32, #tpu.memory_space<vmem>>
    %dma_start3A_304 = tpu.memref_squeeze %dma_start3A_303 : memref<1x128x128xf32, #tpu.memory_space<vmem>> -> memref<128x128xf32, #tpu.memory_space<vmem>>
    %dma_start3A_305 = arith.constant 0 : i32
    %dma_start3A_306 = tpu.memref_slice %arg6[%add3A_298, %dma_start3A_305] : memref<16384x128xf32, #tpu.memory_space<hbm>> -> memref<128x128xf32, #tpu.memory_space<hbm>>
    %dma_start3A_307 = tpu.memref_slice %arg10[%dma_start3A_300] : memref<7x!tpu.dma_semaphore, #tpu.memory_space<semaphore_mem>> -> memref<1x!tpu.dma_semaphore, #tpu.memory_space<semaphore_mem>>
    %dma_start3A_308 = tpu.memref_squeeze %dma_start3A_307 : memref<1x!tpu.dma_semaphore, #tpu.memory_space<semaphore_mem>> -> memref<!tpu.dma_semaphore, #tpu.memory_space<semaphore_mem>>
    %dma_start3A_309 = arith.constant 0 : i32
    %dma_start3A_310 = tpu.memref_slice %arg6[%add3A_298, %dma_start3A_309] : memref<16384x128xf32, #tpu.memory_space<hbm>> -> memref<128x128xf32, #tpu.memory_space<hbm>>
    %dma_start3A_311 = arith.constant 0 : i32
    %dma_start3A_312 = arith.constant 0 : i32
    %dma_start3A_313 = tpu.memref_slice %arg8[%dma_start3A_299, %dma_start3A_311, %dma_start3A_312] : memref<7x128x128xf32, #tpu.memory_space<vmem>> -> memref<1x128x128xf32, #tpu.memory_space<vmem>>
    %dma_start3A_314 = tpu.memref_squeeze %dma_start3A_313 : memref<1x128x128xf32, #tpu.memory_space<vmem>> -> memref<128x128xf32, #tpu.memory_space<vmem>>
    tpu.enqueue_dma source(%dma_start3A_314 : memref<128x128xf32, #tpu.memory_space<vmem>>) target(%dma_start3A_310 : memref<128x128xf32, #tpu.memory_space<hbm>>) target_semaphore(%dma_start3A_308 : memref<!tpu.dma_semaphore, #tpu.memory_space<semaphore_mem>>)
    %dma_wait3A_315 = arith.constant 1 : i32
    %dma_wait3A_316 = arith.constant 1 : i32
    %dma_wait3A_317 = arith.constant 5 : i32
    %dma_wait3A_318 = arith.constant 5 : i32
    %dma_wait3A_319 = arith.constant 0 : i32
    %dma_wait3A_320 = arith.constant 0 : i32
    %dma_wait3A_321 = tpu.memref_slice %arg8[%dma_wait3A_317, %dma_wait3A_319, %dma_wait3A_320] : memref<7x128x128xf32, #tpu.memory_space<vmem>> -> memref<1x128x128xf32, #tpu.memory_space<vmem>>
    %dma_wait3A_322 = tpu.memref_squeeze %dma_wait3A_321 : memref<1x128x128xf32, #tpu.memory_space<vmem>> -> memref<128x128xf32, #tpu.memory_space<vmem>>
    %dma_wait3A_323 = arith.constant 0 : i32
    %dma_wait3A_324 = tpu.memref_slice %arg7[%dma_wait3A_315, %dma_wait3A_316, %dma_wait3A_323] : memref<2x4x128xi32, #tpu.memory_space<vmem>> -> memref<1x1x128xi32, #tpu.memory_space<vmem>>
    %dma_wait3A_325 = tpu.memref_squeeze %dma_wait3A_324 : memref<1x1x128xi32, #tpu.memory_space<vmem>> -> memref<128xi32, #tpu.memory_space<vmem>>
    %dma_wait3A_326 = arith.constant 0 : i32
    %dma_wait3A_327 = arith.constant 0 : i32
    %dma_wait3A_328 = tpu.memref_slice %arg4[%dma_wait3A_326, %dma_wait3A_327] : memref<100000x128xf32, #tpu.memory_space<hbm>> -> memref<100000x128xf32, #tpu.memory_space<hbm>>
    %dma_wait3A_329 = tpu.memref_slice %arg9[%dma_wait3A_318] : memref<7x!tpu.dma_semaphore, #tpu.memory_space<semaphore_mem>> -> memref<1x!tpu.dma_semaphore, #tpu.memory_space<semaphore_mem>>
    %dma_wait3A_330 = tpu.memref_squeeze %dma_wait3A_329 : memref<1x!tpu.dma_semaphore, #tpu.memory_space<semaphore_mem>> -> memref<!tpu.dma_semaphore, #tpu.memory_space<semaphore_mem>>
    tpu.wait_indirect_dma semaphore(%dma_wait3A_330 : memref<!tpu.dma_semaphore, #tpu.memory_space<semaphore_mem>>) src(%dma_wait3A_328 : memref<100000x128xf32, #tpu.memory_space<hbm>>) dst(%dma_wait3A_322 : memref<128x128xf32, #tpu.memory_space<vmem>>)
    %add3A_331 = arith.constant 128 : i32
    %add3A_332 = arith.addi %mul3A_2, %add3A_331 : i32
    %dma_start3A_333 = arith.constant 5 : i32
    %dma_start3A_334 = arith.constant 5 : i32
    %dma_start3A_335 = arith.constant 0 : i32
    %dma_start3A_336 = arith.constant 0 : i32
    %dma_start3A_337 = tpu.memref_slice %arg8[%dma_start3A_333, %dma_start3A_335, %dma_start3A_336] : memref<7x128x128xf32, #tpu.memory_space<vmem>> -> memref<1x128x128xf32, #tpu.memory_space<vmem>>
    %dma_start3A_338 = tpu.memref_squeeze %dma_start3A_337 : memref<1x128x128xf32, #tpu.memory_space<vmem>> -> memref<128x128xf32, #tpu.memory_space<vmem>>
    %dma_start3A_339 = arith.constant 0 : i32
    %dma_start3A_340 = tpu.memref_slice %arg6[%add3A_332, %dma_start3A_339] : memref<16384x128xf32, #tpu.memory_space<hbm>> -> memref<128x128xf32, #tpu.memory_space<hbm>>
    %dma_start3A_341 = tpu.memref_slice %arg10[%dma_start3A_334] : memref<7x!tpu.dma_semaphore, #tpu.memory_space<semaphore_mem>> -> memref<1x!tpu.dma_semaphore, #tpu.memory_space<semaphore_mem>>
    %dma_start3A_342 = tpu.memref_squeeze %dma_start3A_341 : memref<1x!tpu.dma_semaphore, #tpu.memory_space<semaphore_mem>> -> memref<!tpu.dma_semaphore, #tpu.memory_space<semaphore_mem>>
    %dma_start3A_343 = arith.constant 0 : i32
    %dma_start3A_344 = tpu.memref_slice %arg6[%add3A_332, %dma_start3A_343] : memref<16384x128xf32, #tpu.memory_space<hbm>> -> memref<128x128xf32, #tpu.memory_space<hbm>>
    %dma_start3A_345 = arith.constant 0 : i32
    %dma_start3A_346 = arith.constant 0 : i32
    %dma_start3A_347 = tpu.memref_slice %arg8[%dma_start3A_333, %dma_start3A_345, %dma_start3A_346] : memref<7x128x128xf32, #tpu.memory_space<vmem>> -> memref<1x128x128xf32, #tpu.memory_space<vmem>>
    %dma_start3A_348 = tpu.memref_squeeze %dma_start3A_347 : memref<1x128x128xf32, #tpu.memory_space<vmem>> -> memref<128x128xf32, #tpu.memory_space<vmem>>
    tpu.enqueue_dma source(%dma_start3A_348 : memref<128x128xf32, #tpu.memory_space<vmem>>) target(%dma_start3A_344 : memref<128x128xf32, #tpu.memory_space<hbm>>) target_semaphore(%dma_start3A_342 : memref<!tpu.dma_semaphore, #tpu.memory_space<semaphore_mem>>)
    %dma_wait3A_349 = arith.constant 1 : i32
    %dma_wait3A_350 = arith.constant 2 : i32
    %dma_wait3A_351 = arith.constant 6 : i32
    %dma_wait3A_352 = arith.constant 6 : i32
    %dma_wait3A_353 = arith.constant 0 : i32
    %dma_wait3A_354 = arith.constant 0 : i32
    %dma_wait3A_355 = tpu.memref_slice %arg8[%dma_wait3A_351, %dma_wait3A_353, %dma_wait3A_354] : memref<7x128x128xf32, #tpu.memory_space<vmem>> -> memref<1x128x128xf32, #tpu.memory_space<vmem>>
    %dma_wait3A_356 = tpu.memref_squeeze %dma_wait3A_355 : memref<1x128x128xf32, #tpu.memory_space<vmem>> -> memref<128x128xf32, #tpu.memory_space<vmem>>
    %dma_wait3A_357 = arith.constant 0 : i32
    %dma_wait3A_358 = tpu.memref_slice %arg7[%dma_wait3A_349, %dma_wait3A_350, %dma_wait3A_357] : memref<2x4x128xi32, #tpu.memory_space<vmem>> -> memref<1x1x128xi32, #tpu.memory_space<vmem>>
    %dma_wait3A_359 = tpu.memref_squeeze %dma_wait3A_358 : memref<1x1x128xi32, #tpu.memory_space<vmem>> -> memref<128xi32, #tpu.memory_space<vmem>>
    %dma_wait3A_360 = arith.constant 0 : i32
    %dma_wait3A_361 = arith.constant 0 : i32
    %dma_wait3A_362 = tpu.memref_slice %arg4[%dma_wait3A_360, %dma_wait3A_361] : memref<100000x128xf32, #tpu.memory_space<hbm>> -> memref<100000x128xf32, #tpu.memory_space<hbm>>
    %dma_wait3A_363 = tpu.memref_slice %arg9[%dma_wait3A_352] : memref<7x!tpu.dma_semaphore, #tpu.memory_space<semaphore_mem>> -> memref<1x!tpu.dma_semaphore, #tpu.memory_space<semaphore_mem>>
    %dma_wait3A_364 = tpu.memref_squeeze %dma_wait3A_363 : memref<1x!tpu.dma_semaphore, #tpu.memory_space<semaphore_mem>> -> memref<!tpu.dma_semaphore, #tpu.memory_space<semaphore_mem>>
    tpu.wait_indirect_dma semaphore(%dma_wait3A_364 : memref<!tpu.dma_semaphore, #tpu.memory_space<semaphore_mem>>) src(%dma_wait3A_362 : memref<100000x128xf32, #tpu.memory_space<hbm>>) dst(%dma_wait3A_356 : memref<128x128xf32, #tpu.memory_space<vmem>>)
    %add3A_365 = arith.constant 256 : i32
    %add3A_366 = arith.addi %mul3A_2, %add3A_365 : i32
    %dma_start3A_367 = arith.constant 6 : i32
    %dma_start3A_368 = arith.constant 6 : i32
    %dma_start3A_369 = arith.constant 0 : i32
    %dma_start3A_370 = arith.constant 0 : i32
    %dma_start3A_371 = tpu.memref_slice %arg8[%dma_start3A_367, %dma_start3A_369, %dma_start3A_370] : memref<7x128x128xf32, #tpu.memory_space<vmem>> -> memref<1x128x128xf32, #tpu.memory_space<vmem>>
    %dma_start3A_372 = tpu.memref_squeeze %dma_start3A_371 : memref<1x128x128xf32, #tpu.memory_space<vmem>> -> memref<128x128xf32, #tpu.memory_space<vmem>>
    %dma_start3A_373 = arith.constant 0 : i32
    %dma_start3A_374 = tpu.memref_slice %arg6[%add3A_366, %dma_start3A_373] : memref<16384x128xf32, #tpu.memory_space<hbm>> -> memref<128x128xf32, #tpu.memory_space<hbm>>
    %dma_start3A_375 = tpu.memref_slice %arg10[%dma_start3A_368] : memref<7x!tpu.dma_semaphore, #tpu.memory_space<semaphore_mem>> -> memref<1x!tpu.dma_semaphore, #tpu.memory_space<semaphore_mem>>
    %dma_start3A_376 = tpu.memref_squeeze %dma_start3A_375 : memref<1x!tpu.dma_semaphore, #tpu.memory_space<semaphore_mem>> -> memref<!tpu.dma_semaphore, #tpu.memory_space<semaphore_mem>>
    %dma_start3A_377 = arith.constant 0 : i32
    %dma_start3A_378 = tpu.memref_slice %arg6[%add3A_366, %dma_start3A_377] : memref<16384x128xf32, #tpu.memory_space<hbm>> -> memref<128x128xf32, #tpu.memory_space<hbm>>
    %dma_start3A_379 = arith.constant 0 : i32
    %dma_start3A_380 = arith.constant 0 : i32
    %dma_start3A_381 = tpu.memref_slice %arg8[%dma_start3A_367, %dma_start3A_379, %dma_start3A_380] : memref<7x128x128xf32, #tpu.memory_space<vmem>> -> memref<1x128x128xf32, #tpu.memory_space<vmem>>
    %dma_start3A_382 = tpu.memref_squeeze %dma_start3A_381 : memref<1x128x128xf32, #tpu.memory_space<vmem>> -> memref<128x128xf32, #tpu.memory_space<vmem>>
    tpu.enqueue_dma source(%dma_start3A_382 : memref<128x128xf32, #tpu.memory_space<vmem>>) target(%dma_start3A_378 : memref<128x128xf32, #tpu.memory_space<hbm>>) target_semaphore(%dma_start3A_376 : memref<!tpu.dma_semaphore, #tpu.memory_space<semaphore_mem>>)
    %dma_wait3A_383 = arith.constant 1 : i32
    %dma_wait3A_384 = arith.constant 3 : i32
    %dma_wait3A_385 = arith.constant 0 : i32
    %dma_wait3A_386 = arith.constant 0 : i32
    %dma_wait3A_387 = arith.constant 0 : i32
    %dma_wait3A_388 = arith.constant 0 : i32
    %dma_wait3A_389 = tpu.memref_slice %arg8[%dma_wait3A_385, %dma_wait3A_387, %dma_wait3A_388] : memref<7x128x128xf32, #tpu.memory_space<vmem>> -> memref<1x128x128xf32, #tpu.memory_space<vmem>>
    %dma_wait3A_390 = tpu.memref_squeeze %dma_wait3A_389 : memref<1x128x128xf32, #tpu.memory_space<vmem>> -> memref<128x128xf32, #tpu.memory_space<vmem>>
    %dma_wait3A_391 = arith.constant 0 : i32
    %dma_wait3A_392 = tpu.memref_slice %arg7[%dma_wait3A_383, %dma_wait3A_384, %dma_wait3A_391] : memref<2x4x128xi32, #tpu.memory_space<vmem>> -> memref<1x1x128xi32, #tpu.memory_space<vmem>>
    %dma_wait3A_393 = tpu.memref_squeeze %dma_wait3A_392 : memref<1x1x128xi32, #tpu.memory_space<vmem>> -> memref<128xi32, #tpu.memory_space<vmem>>
    %dma_wait3A_394 = arith.constant 0 : i32
    %dma_wait3A_395 = arith.constant 0 : i32
    %dma_wait3A_396 = tpu.memref_slice %arg4[%dma_wait3A_394, %dma_wait3A_395] : memref<100000x128xf32, #tpu.memory_space<hbm>> -> memref<100000x128xf32, #tpu.memory_space<hbm>>
    %dma_wait3A_397 = tpu.memref_slice %arg9[%dma_wait3A_386] : memref<7x!tpu.dma_semaphore, #tpu.memory_space<semaphore_mem>> -> memref<1x!tpu.dma_semaphore, #tpu.memory_space<semaphore_mem>>
    %dma_wait3A_398 = tpu.memref_squeeze %dma_wait3A_397 : memref<1x!tpu.dma_semaphore, #tpu.memory_space<semaphore_mem>> -> memref<!tpu.dma_semaphore, #tpu.memory_space<semaphore_mem>>
    tpu.wait_indirect_dma semaphore(%dma_wait3A_398 : memref<!tpu.dma_semaphore, #tpu.memory_space<semaphore_mem>>) src(%dma_wait3A_396 : memref<100000x128xf32, #tpu.memory_space<hbm>>) dst(%dma_wait3A_390 : memref<128x128xf32, #tpu.memory_space<vmem>>)
    %add3A_399 = arith.constant 384 : i32
    %add3A_400 = arith.addi %mul3A_2, %add3A_399 : i32
    %dma_start3A_401 = arith.constant 0 : i32
    %dma_start3A_402 = arith.constant 0 : i32
    %dma_start3A_403 = arith.constant 0 : i32
    %dma_start3A_404 = arith.constant 0 : i32
    %dma_start3A_405 = tpu.memref_slice %arg8[%dma_start3A_401, %dma_start3A_403, %dma_start3A_404] : memref<7x128x128xf32, #tpu.memory_space<vmem>> -> memref<1x128x128xf32, #tpu.memory_space<vmem>>
    %dma_start3A_406 = tpu.memref_squeeze %dma_start3A_405 : memref<1x128x128xf32, #tpu.memory_space<vmem>> -> memref<128x128xf32, #tpu.memory_space<vmem>>
    %dma_start3A_407 = arith.constant 0 : i32
    %dma_start3A_408 = tpu.memref_slice %arg6[%add3A_400, %dma_start3A_407] : memref<16384x128xf32, #tpu.memory_space<hbm>> -> memref<128x128xf32, #tpu.memory_space<hbm>>
    %dma_start3A_409 = tpu.memref_slice %arg10[%dma_start3A_402] : memref<7x!tpu.dma_semaphore, #tpu.memory_space<semaphore_mem>> -> memref<1x!tpu.dma_semaphore, #tpu.memory_space<semaphore_mem>>
    %dma_start3A_410 = tpu.memref_squeeze %dma_start3A_409 : memref<1x!tpu.dma_semaphore, #tpu.memory_space<semaphore_mem>> -> memref<!tpu.dma_semaphore, #tpu.memory_space<semaphore_mem>>
    %dma_start3A_411 = arith.constant 0 : i32
    %dma_start3A_412 = tpu.memref_slice %arg6[%add3A_400, %dma_start3A_411] : memref<16384x128xf32, #tpu.memory_space<hbm>> -> memref<128x128xf32, #tpu.memory_space<hbm>>
    %dma_start3A_413 = arith.constant 0 : i32
    %dma_start3A_414 = arith.constant 0 : i32
    %dma_start3A_415 = tpu.memref_slice %arg8[%dma_start3A_401, %dma_start3A_413, %dma_start3A_414] : memref<7x128x128xf32, #tpu.memory_space<vmem>> -> memref<1x128x128xf32, #tpu.memory_space<vmem>>
    %dma_start3A_416 = tpu.memref_squeeze %dma_start3A_415 : memref<1x128x128xf32, #tpu.memory_space<vmem>> -> memref<128x128xf32, #tpu.memory_space<vmem>>
    tpu.enqueue_dma source(%dma_start3A_416 : memref<128x128xf32, #tpu.memory_space<vmem>>) target(%dma_start3A_412 : memref<128x128xf32, #tpu.memory_space<hbm>>) target_semaphore(%dma_start3A_410 : memref<!tpu.dma_semaphore, #tpu.memory_space<semaphore_mem>>)
    %dma_wait3A_417 = arith.constant 1 : i32
    %dma_wait3A_418 = arith.constant 1 : i32
    %dma_wait3A_419 = arith.constant 0 : i32
    %dma_wait3A_420 = arith.constant 0 : i32
    %dma_wait3A_421 = tpu.memref_slice %arg8[%dma_wait3A_417, %dma_wait3A_419, %dma_wait3A_420] : memref<7x128x128xf32, #tpu.memory_space<vmem>> -> memref<1x128x128xf32, #tpu.memory_space<vmem>>
    %dma_wait3A_422 = tpu.memref_squeeze %dma_wait3A_421 : memref<1x128x128xf32, #tpu.memory_space<vmem>> -> memref<128x128xf32, #tpu.memory_space<vmem>>
    %dma_wait3A_423 = arith.constant 0 : i32
    %dma_wait3A_424 = tpu.memref_slice %arg5[%add3A_196, %dma_wait3A_423] : memref<16384x128xf32, #tpu.memory_space<hbm>> -> memref<128x128xf32, #tpu.memory_space<hbm>>
    %dma_wait3A_425 = tpu.memref_slice %arg10[%dma_wait3A_418] : memref<7x!tpu.dma_semaphore, #tpu.memory_space<semaphore_mem>> -> memref<1x!tpu.dma_semaphore, #tpu.memory_space<semaphore_mem>>
    %dma_wait3A_426 = tpu.memref_squeeze %dma_wait3A_425 : memref<1x!tpu.dma_semaphore, #tpu.memory_space<semaphore_mem>> -> memref<!tpu.dma_semaphore, #tpu.memory_space<semaphore_mem>>
    %dma_wait3A_427 = arith.constant 0 : i32
    %dma_wait3A_428 = tpu.memref_slice %arg5[%add3A_196, %dma_wait3A_427] : memref<16384x128xf32, #tpu.memory_space<hbm>> -> memref<128x128xf32, #tpu.memory_space<hbm>>
    %dma_wait3A_429 = arith.constant 0 : i32
    %dma_wait3A_430 = arith.constant 0 : i32
    %dma_wait3A_431 = tpu.memref_slice %arg8[%dma_wait3A_417, %dma_wait3A_429, %dma_wait3A_430] : memref<7x128x128xf32, #tpu.memory_space<vmem>> -> memref<1x128x128xf32, #tpu.memory_space<vmem>>
    %dma_wait3A_432 = tpu.memref_squeeze %dma_wait3A_431 : memref<1x128x128xf32, #tpu.memory_space<vmem>> -> memref<128x128xf32, #tpu.memory_space<vmem>>
    tpu.wait_dma2 semaphore(%dma_wait3A_426 : memref<!tpu.dma_semaphore, #tpu.memory_space<semaphore_mem>>) src(%dma_wait3A_432 : memref<128x128xf32, #tpu.memory_space<vmem>>) dst(%dma_wait3A_428 : memref<128x128xf32, #tpu.memory_space<hbm>>)
    %dma_wait3A_433 = arith.constant 2 : i32
    %dma_wait3A_434 = arith.constant 2 : i32
    %dma_wait3A_435 = arith.constant 0 : i32
    %dma_wait3A_436 = arith.constant 0 : i32
    %dma_wait3A_437 = tpu.memref_slice %arg8[%dma_wait3A_433, %dma_wait3A_435, %dma_wait3A_436] : memref<7x128x128xf32, #tpu.memory_space<vmem>> -> memref<1x128x128xf32, #tpu.memory_space<vmem>>
    %dma_wait3A_438 = tpu.memref_squeeze %dma_wait3A_437 : memref<1x128x128xf32, #tpu.memory_space<vmem>> -> memref<128x128xf32, #tpu.memory_space<vmem>>
    %dma_wait3A_439 = arith.constant 0 : i32
    %dma_wait3A_440 = tpu.memref_slice %arg5[%add3A_230, %dma_wait3A_439] : memref<16384x128xf32, #tpu.memory_space<hbm>> -> memref<128x128xf32, #tpu.memory_space<hbm>>
    %dma_wait3A_441 = tpu.memref_slice %arg10[%dma_wait3A_434] : memref<7x!tpu.dma_semaphore, #tpu.memory_space<semaphore_mem>> -> memref<1x!tpu.dma_semaphore, #tpu.memory_space<semaphore_mem>>
    %dma_wait3A_442 = tpu.memref_squeeze %dma_wait3A_441 : memref<1x!tpu.dma_semaphore, #tpu.memory_space<semaphore_mem>> -> memref<!tpu.dma_semaphore, #tpu.memory_space<semaphore_mem>>
    %dma_wait3A_443 = arith.constant 0 : i32
    %dma_wait3A_444 = tpu.memref_slice %arg5[%add3A_230, %dma_wait3A_443] : memref<16384x128xf32, #tpu.memory_space<hbm>> -> memref<128x128xf32, #tpu.memory_space<hbm>>
    %dma_wait3A_445 = arith.constant 0 : i32
    %dma_wait3A_446 = arith.constant 0 : i32
    %dma_wait3A_447 = tpu.memref_slice %arg8[%dma_wait3A_433, %dma_wait3A_445, %dma_wait3A_446] : memref<7x128x128xf32, #tpu.memory_space<vmem>> -> memref<1x128x128xf32, #tpu.memory_space<vmem>>
    %dma_wait3A_448 = tpu.memref_squeeze %dma_wait3A_447 : memref<1x128x128xf32, #tpu.memory_space<vmem>> -> memref<128x128xf32, #tpu.memory_space<vmem>>
    tpu.wait_dma2 semaphore(%dma_wait3A_442 : memref<!tpu.dma_semaphore, #tpu.memory_space<semaphore_mem>>) src(%dma_wait3A_448 : memref<128x128xf32, #tpu.memory_space<vmem>>) dst(%dma_wait3A_444 : memref<128x128xf32, #tpu.memory_space<hbm>>)
    %dma_wait3A_449 = arith.constant 3 : i32
    %dma_wait3A_450 = arith.constant 3 : i32
    %dma_wait3A_451 = arith.constant 0 : i32
    %dma_wait3A_452 = arith.constant 0 : i32
    %dma_wait3A_453 = tpu.memref_slice %arg8[%dma_wait3A_449, %dma_wait3A_451, %dma_wait3A_452] : memref<7x128x128xf32, #tpu.memory_space<vmem>> -> memref<1x128x128xf32, #tpu.memory_space<vmem>>
    %dma_wait3A_454 = tpu.memref_squeeze %dma_wait3A_453 : memref<1x128x128xf32, #tpu.memory_space<vmem>> -> memref<128x128xf32, #tpu.memory_space<vmem>>
    %dma_wait3A_455 = arith.constant 0 : i32
    %dma_wait3A_456 = tpu.memref_slice %arg5[%add3A_264, %dma_wait3A_455] : memref<16384x128xf32, #tpu.memory_space<hbm>> -> memref<128x128xf32, #tpu.memory_space<hbm>>
    %dma_wait3A_457 = tpu.memref_slice %arg10[%dma_wait3A_450] : memref<7x!tpu.dma_semaphore, #tpu.memory_space<semaphore_mem>> -> memref<1x!tpu.dma_semaphore, #tpu.memory_space<semaphore_mem>>
    %dma_wait3A_458 = tpu.memref_squeeze %dma_wait3A_457 : memref<1x!tpu.dma_semaphore, #tpu.memory_space<semaphore_mem>> -> memref<!tpu.dma_semaphore, #tpu.memory_space<semaphore_mem>>
    %dma_wait3A_459 = arith.constant 0 : i32
    %dma_wait3A_460 = tpu.memref_slice %arg5[%add3A_264, %dma_wait3A_459] : memref<16384x128xf32, #tpu.memory_space<hbm>> -> memref<128x128xf32, #tpu.memory_space<hbm>>
    %dma_wait3A_461 = arith.constant 0 : i32
    %dma_wait3A_462 = arith.constant 0 : i32
    %dma_wait3A_463 = tpu.memref_slice %arg8[%dma_wait3A_449, %dma_wait3A_461, %dma_wait3A_462] : memref<7x128x128xf32, #tpu.memory_space<vmem>> -> memref<1x128x128xf32, #tpu.memory_space<vmem>>
    %dma_wait3A_464 = tpu.memref_squeeze %dma_wait3A_463 : memref<1x128x128xf32, #tpu.memory_space<vmem>> -> memref<128x128xf32, #tpu.memory_space<vmem>>
    tpu.wait_dma2 semaphore(%dma_wait3A_458 : memref<!tpu.dma_semaphore, #tpu.memory_space<semaphore_mem>>) src(%dma_wait3A_464 : memref<128x128xf32, #tpu.memory_space<vmem>>) dst(%dma_wait3A_460 : memref<128x128xf32, #tpu.memory_space<hbm>>)
    %dma_wait3A_465 = arith.constant 4 : i32
    %dma_wait3A_466 = arith.constant 4 : i32
    %dma_wait3A_467 = arith.constant 0 : i32
    %dma_wait3A_468 = arith.constant 0 : i32
    %dma_wait3A_469 = tpu.memref_slice %arg8[%dma_wait3A_465, %dma_wait3A_467, %dma_wait3A_468] : memref<7x128x128xf32, #tpu.memory_space<vmem>> -> memref<1x128x128xf32, #tpu.memory_space<vmem>>
    %dma_wait3A_470 = tpu.memref_squeeze %dma_wait3A_469 : memref<1x128x128xf32, #tpu.memory_space<vmem>> -> memref<128x128xf32, #tpu.memory_space<vmem>>
    %dma_wait3A_471 = arith.constant 0 : i32
    %dma_wait3A_472 = tpu.memref_slice %arg6[%add3A_298, %dma_wait3A_471] : memref<16384x128xf32, #tpu.memory_space<hbm>> -> memref<128x128xf32, #tpu.memory_space<hbm>>
    %dma_wait3A_473 = tpu.memref_slice %arg10[%dma_wait3A_466] : memref<7x!tpu.dma_semaphore, #tpu.memory_space<semaphore_mem>> -> memref<1x!tpu.dma_semaphore, #tpu.memory_space<semaphore_mem>>
    %dma_wait3A_474 = tpu.memref_squeeze %dma_wait3A_473 : memref<1x!tpu.dma_semaphore, #tpu.memory_space<semaphore_mem>> -> memref<!tpu.dma_semaphore, #tpu.memory_space<semaphore_mem>>
    %dma_wait3A_475 = arith.constant 0 : i32
    %dma_wait3A_476 = tpu.memref_slice %arg6[%add3A_298, %dma_wait3A_475] : memref<16384x128xf32, #tpu.memory_space<hbm>> -> memref<128x128xf32, #tpu.memory_space<hbm>>
    %dma_wait3A_477 = arith.constant 0 : i32
    %dma_wait3A_478 = arith.constant 0 : i32
    %dma_wait3A_479 = tpu.memref_slice %arg8[%dma_wait3A_465, %dma_wait3A_477, %dma_wait3A_478] : memref<7x128x128xf32, #tpu.memory_space<vmem>> -> memref<1x128x128xf32, #tpu.memory_space<vmem>>
    %dma_wait3A_480 = tpu.memref_squeeze %dma_wait3A_479 : memref<1x128x128xf32, #tpu.memory_space<vmem>> -> memref<128x128xf32, #tpu.memory_space<vmem>>
    tpu.wait_dma2 semaphore(%dma_wait3A_474 : memref<!tpu.dma_semaphore, #tpu.memory_space<semaphore_mem>>) src(%dma_wait3A_480 : memref<128x128xf32, #tpu.memory_space<vmem>>) dst(%dma_wait3A_476 : memref<128x128xf32, #tpu.memory_space<hbm>>)
    %dma_wait3A_481 = arith.constant 5 : i32
    %dma_wait3A_482 = arith.constant 5 : i32
    %dma_wait3A_483 = arith.constant 0 : i32
    %dma_wait3A_484 = arith.constant 0 : i32
    %dma_wait3A_485 = tpu.memref_slice %arg8[%dma_wait3A_481, %dma_wait3A_483, %dma_wait3A_484] : memref<7x128x128xf32, #tpu.memory_space<vmem>> -> memref<1x128x128xf32, #tpu.memory_space<vmem>>
    %dma_wait3A_486 = tpu.memref_squeeze %dma_wait3A_485 : memref<1x128x128xf32, #tpu.memory_space<vmem>> -> memref<128x128xf32, #tpu.memory_space<vmem>>
    %dma_wait3A_487 = arith.constant 0 : i32
    %dma_wait3A_488 = tpu.memref_slice %arg6[%add3A_332, %dma_wait3A_487] : memref<16384x128xf32, #tpu.memory_space<hbm>> -> memref<128x128xf32, #tpu.memory_space<hbm>>
    %dma_wait3A_489 = tpu.memref_slice %arg10[%dma_wait3A_482] : memref<7x!tpu.dma_semaphore, #tpu.memory_space<semaphore_mem>> -> memref<1x!tpu.dma_semaphore, #tpu.memory_space<semaphore_mem>>
    %dma_wait3A_490 = tpu.memref_squeeze %dma_wait3A_489 : memref<1x!tpu.dma_semaphore, #tpu.memory_space<semaphore_mem>> -> memref<!tpu.dma_semaphore, #tpu.memory_space<semaphore_mem>>
    %dma_wait3A_491 = arith.constant 0 : i32
    %dma_wait3A_492 = tpu.memref_slice %arg6[%add3A_332, %dma_wait3A_491] : memref<16384x128xf32, #tpu.memory_space<hbm>> -> memref<128x128xf32, #tpu.memory_space<hbm>>
    %dma_wait3A_493 = arith.constant 0 : i32
    %dma_wait3A_494 = arith.constant 0 : i32
    %dma_wait3A_495 = tpu.memref_slice %arg8[%dma_wait3A_481, %dma_wait3A_493, %dma_wait3A_494] : memref<7x128x128xf32, #tpu.memory_space<vmem>> -> memref<1x128x128xf32, #tpu.memory_space<vmem>>
    %dma_wait3A_496 = tpu.memref_squeeze %dma_wait3A_495 : memref<1x128x128xf32, #tpu.memory_space<vmem>> -> memref<128x128xf32, #tpu.memory_space<vmem>>
    tpu.wait_dma2 semaphore(%dma_wait3A_490 : memref<!tpu.dma_semaphore, #tpu.memory_space<semaphore_mem>>) src(%dma_wait3A_496 : memref<128x128xf32, #tpu.memory_space<vmem>>) dst(%dma_wait3A_492 : memref<128x128xf32, #tpu.memory_space<hbm>>)
    %dma_wait3A_497 = arith.constant 6 : i32
    %dma_wait3A_498 = arith.constant 6 : i32
    %dma_wait3A_499 = arith.constant 0 : i32
    %dma_wait3A_500 = arith.constant 0 : i32
    %dma_wait3A_501 = tpu.memref_slice %arg8[%dma_wait3A_497, %dma_wait3A_499, %dma_wait3A_500] : memref<7x128x128xf32, #tpu.memory_space<vmem>> -> memref<1x128x128xf32, #tpu.memory_space<vmem>>
    %dma_wait3A_502 = tpu.memref_squeeze %dma_wait3A_501 : memref<1x128x128xf32, #tpu.memory_space<vmem>> -> memref<128x128xf32, #tpu.memory_space<vmem>>
    %dma_wait3A_503 = arith.constant 0 : i32
    %dma_wait3A_504 = tpu.memref_slice %arg6[%add3A_366, %dma_wait3A_503] : memref<16384x128xf32, #tpu.memory_space<hbm>> -> memref<128x128xf32, #tpu.memory_space<hbm>>
    %dma_wait3A_505 = tpu.memref_slice %arg10[%dma_wait3A_498] : memref<7x!tpu.dma_semaphore, #tpu.memory_space<semaphore_mem>> -> memref<1x!tpu.dma_semaphore, #tpu.memory_space<semaphore_mem>>
    %dma_wait3A_506 = tpu.memref_squeeze %dma_wait3A_505 : memref<1x!tpu.dma_semaphore, #tpu.memory_space<semaphore_mem>> -> memref<!tpu.dma_semaphore, #tpu.memory_space<semaphore_mem>>
    %dma_wait3A_507 = arith.constant 0 : i32
    %dma_wait3A_508 = tpu.memref_slice %arg6[%add3A_366, %dma_wait3A_507] : memref<16384x128xf32, #tpu.memory_space<hbm>> -> memref<128x128xf32, #tpu.memory_space<hbm>>
    %dma_wait3A_509 = arith.constant 0 : i32
    %dma_wait3A_510 = arith.constant 0 : i32
    %dma_wait3A_511 = tpu.memref_slice %arg8[%dma_wait3A_497, %dma_wait3A_509, %dma_wait3A_510] : memref<7x128x128xf32, #tpu.memory_space<vmem>> -> memref<1x128x128xf32, #tpu.memory_space<vmem>>
    %dma_wait3A_512 = tpu.memref_squeeze %dma_wait3A_511 : memref<1x128x128xf32, #tpu.memory_space<vmem>> -> memref<128x128xf32, #tpu.memory_space<vmem>>
    tpu.wait_dma2 semaphore(%dma_wait3A_506 : memref<!tpu.dma_semaphore, #tpu.memory_space<semaphore_mem>>) src(%dma_wait3A_512 : memref<128x128xf32, #tpu.memory_space<vmem>>) dst(%dma_wait3A_508 : memref<128x128xf32, #tpu.memory_space<hbm>>)
    %dma_wait3A_513 = arith.constant 0 : i32
    %dma_wait3A_514 = arith.constant 0 : i32
    %dma_wait3A_515 = arith.constant 0 : i32
    %dma_wait3A_516 = arith.constant 0 : i32
    %dma_wait3A_517 = tpu.memref_slice %arg8[%dma_wait3A_513, %dma_wait3A_515, %dma_wait3A_516] : memref<7x128x128xf32, #tpu.memory_space<vmem>> -> memref<1x128x128xf32, #tpu.memory_space<vmem>>
    %dma_wait3A_518 = tpu.memref_squeeze %dma_wait3A_517 : memref<1x128x128xf32, #tpu.memory_space<vmem>> -> memref<128x128xf32, #tpu.memory_space<vmem>>
    %dma_wait3A_519 = arith.constant 0 : i32
    %dma_wait3A_520 = tpu.memref_slice %arg6[%add3A_400, %dma_wait3A_519] : memref<16384x128xf32, #tpu.memory_space<hbm>> -> memref<128x128xf32, #tpu.memory_space<hbm>>
    %dma_wait3A_521 = tpu.memref_slice %arg10[%dma_wait3A_514] : memref<7x!tpu.dma_semaphore, #tpu.memory_space<semaphore_mem>> -> memref<1x!tpu.dma_semaphore, #tpu.memory_space<semaphore_mem>>
    %dma_wait3A_522 = tpu.memref_squeeze %dma_wait3A_521 : memref<1x!tpu.dma_semaphore, #tpu.memory_space<semaphore_mem>> -> memref<!tpu.dma_semaphore, #tpu.memory_space<semaphore_mem>>
    %dma_wait3A_523 = arith.constant 0 : i32
    %dma_wait3A_524 = tpu.memref_slice %arg6[%add3A_400, %dma_wait3A_523] : memref<16384x128xf32, #tpu.memory_space<hbm>> -> memref<128x128xf32, #tpu.memory_space<hbm>>
    %dma_wait3A_525 = arith.constant 0 : i32
    %dma_wait3A_526 = arith.constant 0 : i32
    %dma_wait3A_527 = tpu.memref_slice %arg8[%dma_wait3A_513, %dma_wait3A_525, %dma_wait3A_526] : memref<7x128x128xf32, #tpu.memory_space<vmem>> -> memref<1x128x128xf32, #tpu.memory_space<vmem>>
    %dma_wait3A_528 = tpu.memref_squeeze %dma_wait3A_527 : memref<1x128x128xf32, #tpu.memory_space<vmem>> -> memref<128x128xf32, #tpu.memory_space<vmem>>
    tpu.wait_dma2 semaphore(%dma_wait3A_522 : memref<!tpu.dma_semaphore, #tpu.memory_space<semaphore_mem>>) src(%dma_wait3A_528 : memref<128x128xf32, #tpu.memory_space<vmem>>) dst(%dma_wait3A_524 : memref<128x128xf32, #tpu.memory_space<hbm>>)
    return
  }
}

</mosaic_0001>

<sc_bundles>
// kernel: kernel.3.cloned.1.call-start
scs
__scs_entry_jumppad:
0x0: {  	(pc) =	sbr.rel $0x88, $3  }
0x1: {  	(tag) =	ssettag $0x0;
	lr =	simm.s32 $0x1  }
0x2: {  	[smem:$0x3F9D] =	sst lr;
	_ =	strace $0xD0000000  }
0x3: {  	_ = 	snop  }
0x4: {  	_ = 	snop  }
0x5: {  	_ = 	snop  }
0x6: {  	_ = 	snop  }
0x7: {  	_ = 	snop  }
__scs_overlays_trampoline_lowered:
0x8: {  	[smem:$0x3FAC] =	sst s0  }
0x9: {  	[smem:$0x3FAD] =	sst s1  }
0xa: {  	[smem:$0x3FAE] =	sst s2  }
0xb: {  	[smem:$0x3FAF] =	sst s3  }
0xc: {  	[smem:$0x3FB0] =	sst s4  }
0xd: {  	[smem:$0x3FB1] =	sst s5  }
0xe: {  	[smem:$0x3FB2] =	sst s6  }
0xf: {  	[smem:$0x3FB3] =	sst s7  }
0x10: {  	[smem:$0x3FB4] =	sst s8  }
0x11: {  	[smem:$0x3FB5] =	sst s9;
	s0 =	simm.s32 @!p0 $0x0  }
0x12: {  	s1 =	sld [smem:$0x3F9B];
	s0 =	simm.s32 @p0 $0x1  }
0x13: {  	[smem:$0x3FB6] =	sst s0;
	s0 =	simm.s32 @!p1 $0x0  }
0x14: {  	s2 =	sld [smem:$0x3F9A];
	s0 =	simm.s32 @p1 $0x1  }
0x15: {  	[smem:$0x3FB7] =	sst s0;
	s0 =	simm.s32 @!p2 $0x0  }
0x16: {  	s3 =	sld [smem:$0x3FDB];
	s0 =	simm.s32 @p2 $0x1  }
0x17: {  	s4 =	simm.s32 $0x1BF5;
	[smem:$0x3FB9] =	sst s0  }
0x18: {  	s0 =	sld [smem:$0x3F9C];
	_ =	swait.ge [sflag:s4], $0x0  }
0x19: {  	s7 =	sld [smem:$0x3F9D]  }
0x1a: {  	s8 =	sadd.s32 $0xFFFFE003, lr  }
0x1b: {  	s9 =	sadd.s32 $0xFFFFFEF7, lr;
	s5 =	simm.s32 $0xFFFFFFFF;
	p2 =	slt.u32 s8, $0xFFFFF086  }
0x1c: {  	p1 =	slt.u32 s9, $0xF7A;
	s5 =	simm.s32 @!p2 $0x0  }
0x1d: {  	s5 =	simm.s32 @p1 $0x1;
	p0 =	seq.s32 s7, s2  }
0x1e: {  	s7 =	smul.u32 @!p0 $0xF7A, s2;
	p2 =	seq.s32 @!p0 s5, $0x0  }
0x1f: {  	s9 =	smul.u32 $0xF7A, s1;
	s8 =	simm.s32 @!p0 $0x1BF5;
	p2 =	por !p2, p0  }
0x20: {  	[sflag:s8] =	ssyncset.s32 @!p0 $0xFFFFF086;
	s6 =	sadd.s32 @!p0 s3, s7;
	s7 =	simm.s32 @!p0 $0x108  }
0x21: {  	s3 =	sadd.s32 s3, s9;
	s6 =	sadd.s32 @!p0 $0x88, s6;
	s7 =	simm.s32 @p2 $0x1082  }
0x22: {  	[simem:s7], [sflag:s8] =	dma.local @!p0 [hbm:s6], $0xF7A  }
0x23: {  	s9 =	sor.u32 $0xD0000000, s2;
	s6 =	simm.s32 $0x108;
	_ =	swait.ge @!p0 [sflag:s8], $0x0  }
0x24: {  	s3 =	sadd.s32 $0x88, s3;
	s6 =	simm.s32 @!p1 $0x1082;
	[sflag:s4] =	ssyncset.s32 $0xFFFFF086  }
0x25: {  	[simem:s6], [sflag:s4] =	dma.local [hbm:s3], $0xF7A  }
0x26: {  	[smem:$0x3F9D] =	sst s1;
	(tag) =	ssettag s2;
	_ =	strace s9  }
0x27: {  	s1 =	sld [smem:$0x3FAD]  }
0x28: {  	s2 =	sld [smem:$0x3FAE]  }
0x29: {  	s4 =	sld [smem:$0x3FB0]  }
0x2a: {  	p0 =	seq.s32 s5, $0x0;
	s5 =	sld [smem:$0x3FB1]  }
0x2b: {  	s6 =	sld [smem:$0x3FB2]  }
0x2c: {  	s7 =	sld [smem:$0x3FB3]  }
0x2d: {  	s3 =	simm.s32 $0x108;
	s8 =	sld [smem:$0x3FB4]  }
0x2e: {  	s3 =	simm.s32 @!p0 $0x1082;
	s9 =	sld [smem:$0x3FB5]  }
0x2f: {  	lr =	sadd.s32 s0, s3;
	s0 =	sld [smem:$0x3FAC]  }
0x30: {  	s3 =	sld [smem:$0x3FAF]  }
0x31: {  	[smem:$0x3FB8] =	sst s10  }
0x32: {  	s10 =	sld [smem:$0x3FB6];
	_ =	sdelay $0x3  }
0x33: {  	p0 =	seq.s32 s10, $0x1;
	s10 =	sld [smem:$0x3FB8];
	_ =	sdelay $0x3  }
0x34: {  	[smem:$0x3FB8] =	sst s10  }
0x35: {  	s10 =	sld [smem:$0x3FB7];
	_ =	sdelay $0x3  }
0x36: {  	p1 =	seq.s32 s10, $0x1;
	s10 =	sld [smem:$0x3FB8];
	_ =	sdelay $0x3  }
0x37: {  	[smem:$0x3FB8] =	sst s10  }
0x38: {  	s10 =	sld [smem:$0x3FB9]  }
0x39: {  	_ = 	snop;
	(pc) =	sbr.ind lr, $3  }
0x3a: {  	_ = 	snop  }
0x3b: {  	_ = 	snop  }
0x3c: {  	p2 =	seq.s32 s10, $0x1;
	s10 =	sld [smem:$0x3FB8]  }
0x3d: {  	_ =	shalt  }
0x3e: {  	_ =	shalt  }
0x3f: {  	_ =	shalt  }
0x40: {  	_ =	shalt  }
0x41: {  	_ =	shalt  }
0x42: {  	_ =	shalt  }
0x43: {  	_ =	shalt  }
0x44: {  	_ =	shalt  }
0x45: {  	_ =	shalt  }
0x46: {  	_ =	shalt  }
0x47: {  	_ =	shalt  }
0x48: {  	_ =	shalt  }
0x49: {  	_ =	shalt  }
0x4a: {  	_ =	shalt  }
0x4b: {  	_ =	shalt  }
0x4c: {  	_ =	shalt  }
0x4d: {  	_ =	shalt  }
0x4e: {  	_ =	shalt  }
0x4f: {  	_ =	shalt  }
0x50: {  	_ =	shalt  }
0x51: {  	_ =	shalt  }
0x52: {  	_ =	shalt  }
0x53: {  	_ =	shalt  }
0x54: {  	_ =	shalt  }
0x55: {  	_ =	shalt  }
0x56: {  	_ =	shalt  }
0x57: {  	_ =	shalt  }
0x58: {  	_ =	shalt  }
0x59: {  	_ =	shalt  }
0x5a: {  	_ =	shalt  }
0x5b: {  	_ =	shalt  }
0x5c: {  	_ =	shalt  }
0x5d: {  	_ =	shalt  }
0x5e: {  	_ =	shalt  }
0x5f: {  	_ =	shalt  }
0x60: {  	_ =	shalt  }
0x61: {  	_ =	shalt  }
0x62: {  	_ =	shalt  }
0x63: {  	_ =	shalt  }
0x64: {  	_ =	shalt  }
0x65: {  	_ =	shalt  }
0x66: {  	_ =	shalt  }
0x67: {  	_ =	shalt  }
0x68: {  	_ =	shalt  }
0x69: {  	_ =	shalt  }
0x6a: {  	_ =	shalt  }
0x6b: {  	_ =	shalt  }
0x6c: {  	_ =	shalt  }
0x6d: {  	_ =	shalt  }
0x6e: {  	_ =	shalt  }
0x6f: {  	_ =	shalt  }
0x70: {  	_ =	shalt  }
0x71: {  	_ =	shalt  }
0x72: {  	_ =	shalt  }
0x73: {  	_ =	shalt  }
0x74: {  	_ =	shalt  }
0x75: {  	_ =	shalt  }
0x76: {  	_ =	shalt  }
0x77: {  	_ =	shalt  }
0x78: {  	_ =	shalt  }
0x79: {  	_ =	shalt  }
0x7a: {  	_ =	shalt  }
0x7b: {  	_ =	shalt  }
0x7c: {  	_ =	shalt  }
0x7d: {  	_ =	shalt  }
0x7e: {  	_ =	shalt  }
0x7f: {  	_ =	shalt  }
0x80: {  	_ =	shalt  }
0x81: {  	_ =	shalt  }
0x82: {  	_ =	shalt  }
0x83: {  	_ =	shalt  }
0x84: {  	_ =	shalt  }
0x85: {  	_ =	shalt  }
0x86: {  	_ =	shalt  }
0x87: {  	_ =	shalt  }
.Lfunc_end0:
.L_simem_size_0:
called_computation_lowered:
.L_overlay_start_0:
0x88: {  	s2 =	sld [smem:$0x3FD9]  }
0x89: {  	s3 =	sld [smem:$0x3FFE];
	_ =	sdelay $0x1  }
0x8a: {  	s1 =	srdreg.scid  }
0x8b: {  	s0 =	sand.u32 $0x1, s1  }
0x8c: {  	s14 =	sshll.u32 s0, $0xA;
	s2 =	sadd.s32 s3, s2  }
0x8d: {  	s2 =	sadd.s32 s2, s14  }
0x8e: {  	[smem:$0x3FC4] =	sst s2  }
0x8f: {  	_ = 	snop  }
0x90: {  	s2 =	sld [smem:$0x3FD0];
	_ =	sdelay $0x1  }
0x91: {  	s15 =	sld [smem:$0x3FC7]  }
0x92: {  	s5 =	simm.s32 $0xA;
	s6 =	simm.s32 $0x10;
	s4 =	sld [smem:$0x3FC6]  }
0x93: {  	[smem:s6], [sflag:s5] =	dma.local [hbm:s2], $0x1  }
0x94: {  	_ =	swait.eq [sflag:s5], $0x1  }
0x95: {  	[sflag:s5] =	ssyncset.done $0x0  }
0x96: {  	s16 =	sld [smem:$0x10];
	[sflag:s5] =	ssyncadd.s32 $0xFFFFFFFF  }
0x97: {  	s17 =	sld [smem:$0x11];
	(tm) =	ssettm $0x1  }
0x98: {  	s18 =	sld [smem:$0x3FFB];
	_ =	sdelay $0x3  }
0x99: {  	_ =	strace s18  }
0x9a: {  	s6 =	sld [smem:$0x3FFC];
	_ =	sdelay $0x3  }
0x9b: {  	_ =	strace s6  }
0x9c: {  	s6 =	sld [smem:$0x3FFD];
	_ =	sdelay $0x3  }
0x9d: {  	_ =	strace s6  }
0x9e: {  	_ =	strace $0x8FFFFFFF  }
0x9f: {  	s19 =	sld [smem:$0x3FDB];
	_ =	sdelay $0x1  }
0xa0: {  	s7 =	simm.s32 $_scs_section_size  }
0xa1: {  	s8 =	simm.s32 $_size__tile_overlayer_lowered;
	s9 =	simm.s32 $_tile_overlayer_lowered  }
0xa2: {  	s22 =	simm.s32 $0x1BFF;
	s21 =	sshll.u32 s9, $0x1;
	s6 =	sadd.s32 s7, s19  }
0xa3: {  	s10 =	simm.s32 $0x0;
	s20 =	sshll.u32 s8, $0x1;
	s8 =	sadd.s32 s21, s6  }
0xa4: {  	[timem:s10], [sflag:s22] =	dma.local [hbm:s8], s20  }
0xa5: {  	_ =	swait.ge [sflag:s22], s20  }
0xa6: {  	s7 =	ssub.s32 $0x0, s20;
	[sflag:s22] =	ssyncset.done $0x0  }
0xa7: {  	[sflag:s22] =	ssyncadd.s32 s7;
	_ =	sdelay $0x1  }
0xa8: {  	s23 =	simm.s32 $0x1B8B  }
0xa9: {  	_ =	swait.ge [sflag:s23], $0x1  }
0xaa: {  	[sflag:s23] =	ssyncset.done $0x0  }
0xab: {  	s25 =	simm.s32 $0x1B8E;
	s24 =	sld [smem:$0x3FFE];
	[sflag:s23] =	ssyncadd.s32 $0xFFFFFFFF  }
0xac: {  	s26 =	simm.s32 $execute0_lowered;
	[smem:$0x3FD2] =	sst s25  }
0xad: {  	s8 =	sshll.u32 s26, $0x1;
	_ =	strace $0x80000046;
	[dreg:$0x1] =	wrdreg $0xFFFFFFFF  }
0xae: {  	s28 =	simm.s32 $_size_execute0_lowered;
	s6 =	sadd.s32 s6, s8;
	[dreg:$0x0] =	wrdreg $0x0  }
0xaf: {  	s8 =	sshll.u32 s28, $0x1;
	[dreg:$0x2] =	wrdreg s6  }
0xb0: {  	[dreg:$0x3] =	wrdreg s8  }
0xb1: {  	[dreg:$0x4] =	wrdreg $0xC0  }
0xb2: {  	_ =	task [dreg:s10], $0x5FFFF  }
0xb3: {  	[dreg:$0x1] =	wrdreg $0xFFFFFFFF  }
0xb4: {  	[dreg:$0x0] =	wrdreg $0x60  }
0xb5: {  	[dreg:$0x2] =	wrdreg s24  }
0xb6: {  	[dreg:$0x3] =	wrdreg s15  }
0xb7: {  	[dreg:$0x4] =	wrdreg s4  }
0xb8: {  	[dreg:$0x5] =	wrdreg s16  }
0xb9: {  	[dreg:$0x6] =	wrdreg s17  }
0xba: {  	[dreg:$0x7] =	wrdreg $0x9  }
0xbb: {  	_ =	task.clear_ibuf [dreg:s10], $0x8FFFF;
	_ =	strace $0x90000046  }
0xbc: {  	s29 =	simm.s32 $0x9;
	_ =	strace $0x80000048  }
0xbd: {  	_ =	swait.ge [sflag:s29], $0x1  }
0xbe: {  	[sflag:s29] =	ssyncadd.s32 $0xFFFFFFFF  }
0xbf: {  	_ =	strace $0x90000048  }
0xc0: {  	_ =	sfence  }
0xc1: {  	s30 =	sld [smem:$0x0];
	_ =	sdelay $0x2  }
0xc2: {  	s31 =	sshll.u32 s1, $0xD;
	s1 =	sshrl.u32 s1, $0x2  }
0xc3: {  	s3 =	sand.u32 $0x4000, s31;
	s1 =	sadd.s32 s1, s30  }
0xc4: {  	s0 =	sor.u32 s3, s0;
	s1 =	sshll.u32 s1, $0x11  }
0xc5: {  	s0 =	sor.u32 s1, s0  }
0xc6: {  	s0 =	sadd.s32 $0x8F2B, s0  }
0xc7: {  	[sflag:s0] =	ssyncadd.remote.s32 $0x1  }
0xc8: {  	_ =	sfence.sel $0xFFFF  }
0xc9: {  	[dreg:$0x0] =	wrdreg $0xFFFFFFFF;
	(pc) =	sbr.abs _section_cstart, $3  }
0xca: {  	[dreg:$0x1] =	wrdreg $0xFFFFFFFF  }
0xcb: {  	_ =	task.clear_ibuf [dreg:s10], $0x2FFFF;
	_ =	strace $0x9FFFFFFF  }
0xcc: {  	(tm) =	ssettm $0x7FFFFFFF  }
0xcd: {  	_ =	shalt  }
tec
execute0_lowered:
.L_overlay_start_1:
0x0: {  	(tag) =	ssettag $0x1  }
0x1: {  	s0 =	rddreg [dreg:$0x0]  }
0x2: {  	s6 =	rddreg [dreg:$0x1]  }
0x3: {  	s3 =	rddreg [dreg:$0x2]  }
0x4: {  	s1 =	srdreg.scid;
	s4 =	rddreg [dreg:$0x3]  }
0x5: {  	s2 =	stileid.u32;
	s5 =	rddreg [dreg:$0x4];
	s28 =	simm.s32 $0xF  }
0x6: {  	s21 =	simm.s32 $0x80;
	s22 =	simm.s32 $0x4400;
	s19 =	simm.s32 $0x8400  }
0x7: {  	s17 =	simm.s32 $0xC400;
	s16 =	simm.s32 $0x10400;
	s31 =	simm.s32 $0x300  }
0x8: {  	s30 =	simm.s32 $0x380;
	s20 =	simm.s32 $0x6;
	s18 =	simm.s32 $0x7  }
0x9: {  	p0 =	por $0x0, $0x0;
	s1 =	sand.u32 $0x1, s1;
	s2 =	sshll.u32 s2, $0x1  }
0xa: {  	s7 =	sor.u32 s1, s2;
	s2 =	simm.s32 $0x0;
	s1 =	ssub.s32 $0x2, s1  }
0xb: {  	s8 =	sshll.u32 s7, $0x7;
	[smem:$0x7FF] =	sst s2;
	s7 =	sshll.u32 s7, $0xD  }
0xc: {  	s12 =	sshrl.u32 s1, $0x1;
	s0 =	sadd.s32 s8, s0;
	_ =	strace $0x80000047  }
0xd: {  	s23 =	sadd.s32 s4, s7;
	s24 =	sor.u32 $0x800, s7;
	s9 =	sor.u32 $0x1000, s7  }
0xe: {  	s10 =	sor.u32 $0x1800, s7;
	s7 =	sadd.s32 s5, s7;
	[dreg:$0x7] =	wrdreg s23  }
0xf: {  	s1 =	ssub.s32 s1, s12;
	s0 =	sadd.s32 $0x600, s0;
	[dreg:$0xb] =	wrdreg s7  }
0x10: {  	s8 =	simm.s32 $0x1;
	s25 =	sadd.s32 s4, s24;
	[dreg:$0x6] =	wrdreg s0  }
0x11: {  	s12 =	simm.s32 $0xB;
	s26 =	sadd.s32 s4, s9;
	[dreg:$0x8] =	wrdreg s25  }
0x12: {  	s4 =	sadd.s32 s4, s10;
	s11 =	sadd.s32 s5, s24;
	[dreg:$0x9] =	wrdreg s26  }
0x13: {  	s13 =	sadd.s32 s5, s9;
	s14 =	sadd.s32 s5, s10;
	[dreg:$0xa] =	wrdreg s4  }
0x14: {  	s15 =	smax.u32 s1, $0x1;
	s24 =	simm.s32 $0x100;
	[dreg:$0xc] =	wrdreg s11  }
0x15: {  	s5 =	simm.s32 $0x400;
	s23 =	simm.s32 $0x5;
	[dreg:$0xd] =	wrdreg s13  }
0x16: {  	s10 =	simm.s32 $0xC;
	s9 =	simm.s32 $0xD;
	[dreg:$0xe] =	wrdreg s14  }
0x17: {  	s7 =	simm.s32 $0xE;
	[dreg:$0xf] =	wrdreg s24;
	p1 =	sne.s32 s15, $0x1  }
.Ltmp0:
0x18: {  	s25 =	simm.s32 $0x180;
	s26 =	simm.s32 $0x200;
	(pc) =	sbr.rel @!p1 .LBB2_1-.Ltmp0, $4  }
0x19: {  	s13 =	simm.s32 $0x14400;
	s11 =	simm.s32 $0x18400;
	s4 =	simm.s32 $0x8  }
0x1a: {  	s24 =	simm.s32 $0x4;
	s29 =	sadd.s32 $0xFFFFFFFF, s15;
	[dreg:$0x10] =	wrdreg s25  }
0x1b: {  	s15 =	simm.s32 $0x9;
	s14 =	simm.s32 $0xA;
	[dreg:$0x11] =	wrdreg s26  }
0x1c: {  	s26 =	simm.s32 $0x2;
	s25 =	simm.s32 $0x3;
	s0 =	rddreg [dreg:$0x6]  }
0x1d: {  	[tilespmem:s2], [sflag:$0xF] =	stream.linear.gather [hbm4b:s0+s2], $0x400, $0x38;
	[tilespmem:$0x1C400] =	vst v63  }
0x1e: {  	_ =	swait.ge [sflag:s28], $0x400  }
0x1f: {  	[sflag:s28] =	ssyncset.done $0x0  }
0x20: {  	[sflag:s28] =	ssyncadd.s32 $0xFFFFFC00  }
0x21: {  	[tilespmem:s5], [sflag:$0x1] =	stream.indirect.gather [hbm4b:s6+s21], $0x80, s2, s21, $0xb8;
	[tilespmem:$0x1C400] =	vst v63  }
0x22: {  	_ = 	snop  }
0x23: {  	[tilespmem:s22], [sflag:$0x2] =	stream.indirect.gather [hbm4b:s6+s21], $0x80, s21, s21, $0xb8;
	[tilespmem:$0x1C400] =	vst v63  }
0x24: {  	s0 =	rddreg [dreg:$0xf]  }
0x25: {  	[tilespmem:s19], [sflag:$0x3] =	stream.indirect.gather [hbm4b:s6+s21], $0x80, s0, s21, $0xb8;
	[tilespmem:$0x1C400] =	vst v63  }
0x26: {  	s1 =	rddreg [dreg:$0x10]  }
0x27: {  	[tilespmem:s17], [sflag:$0x4] =	stream.indirect.gather [hbm4b:s6+s21], $0x80, s1, s21, $0xb8;
	[tilespmem:$0x1C400] =	vst v63  }
0x28: {  	s0 =	rddreg [dreg:$0x11]  }
0x29: {  	[tilespmem:s16], [sflag:$0x5] =	stream.indirect.gather [hbm4b:s3+s21], $0x80, s0, s21, $0xb8;
	[tilespmem:$0x1C400] =	vst v63  }
0x2a: {  	s1 =	simm.s32 $0x280  }
0x2b: {  	[tilespmem:s13], [sflag:$0x6] =	stream.indirect.gather [hbm4b:s3+s21], $0x80, s1, s21, $0xb8;
	[tilespmem:$0x1C400] =	vst v63  }
0x2c: {  	_ = 	snop  }
0x2d: {  	[tilespmem:s11], [sflag:$0x7] =	stream.indirect.gather [hbm4b:s3+s21], $0x80, s31, s21, $0xb8;
	[tilespmem:$0x1C400] =	vst v63  }
0x2e: {  	_ =	swait.ge [sflag:s8], $0x4000  }
0x2f: {  	[sflag:s8] =	ssyncset.done $0x0  }
0x30: {  	s1 =	rddreg [dreg:$0x7];
	[sflag:s8] =	ssyncadd.s32 $0xFFFFC000  }
0x31: {  	[hbm4b:s1+s2] =	stream.linear.scatter [tilespmem:s5], [sflag:$0x8], $0x4000, $0x38;
	[tilespmem:$0x1C400] =	vst v63  }
0x32: {  	_ =	swait.ge [sflag:s4], $0x4000  }
0x33: {  	[sflag:s4] =	ssyncset.done $0x0  }
0x34: {  	[sflag:s4] =	ssyncadd.s32 $0xFFFFC000  }
0x35: {  	[tilespmem:s5], [sflag:$0x1] =	stream.indirect.gather [hbm4b:s3+s21], $0x80, s30, s21, $0xb8;
	[tilespmem:$0x1C400] =	vst v63  }
0x36: {  	_ =	swait.ge [sflag:s26], $0x4000  }
0x37: {  	[sflag:s26] =	ssyncset.done $0x0  }
0x38: {  	s1 =	rddreg [dreg:$0x8];
	[sflag:s26] =	ssyncadd.s32 $0xFFFFC000  }
0x39: {  	[hbm4b:s1+s2] =	stream.linear.scatter [tilespmem:s22], [sflag:$0x9], $0x4000, $0x38;
	[tilespmem:$0x1C400] =	vst v63  }
0x3a: {  	_ =	swait.ge [sflag:s25], $0x4000  }
0x3b: {  	[sflag:s25] =	ssyncset.done $0x0  }
0x3c: {  	s1 =	rddreg [dreg:$0x9];
	[sflag:s25] =	ssyncadd.s32 $0xFFFFC000  }
0x3d: {  	[hbm4b:s1+s2] =	stream.linear.scatter [tilespmem:s19], [sflag:$0xA], $0x4000, $0x38;
	[tilespmem:$0x1C400] =	vst v63  }
0x3e: {  	_ =	swait.ge [sflag:s24], $0x4000  }
0x3f: {  	[sflag:s24] =	ssyncset.done $0x0  }
0x40: {  	s1 =	rddreg [dreg:$0xa];
	[sflag:s24] =	ssyncadd.s32 $0xFFFFC000  }
0x41: {  	[hbm4b:s1+s2] =	stream.linear.scatter [tilespmem:s17], [sflag:$0xB], $0x4000, $0x38;
	[tilespmem:$0x1C400] =	vst v63  }
0x42: {  	_ =	swait.ge [sflag:s23], $0x4000  }
0x43: {  	[sflag:s23] =	ssyncset.done $0x0  }
0x44: {  	s1 =	rddreg [dreg:$0xb];
	[sflag:s23] =	ssyncadd.s32 $0xFFFFC000  }
0x45: {  	[hbm4b:s1+s2] =	stream.linear.scatter [tilespmem:s16], [sflag:$0xC], $0x4000, $0x38;
	[tilespmem:$0x1C400] =	vst v63  }
0x46: {  	_ =	swait.ge [sflag:s20], $0x4000  }
0x47: {  	[sflag:s20] =	ssyncset.done $0x0  }
0x48: {  	s1 =	rddreg [dreg:$0xc];
	[sflag:s20] =	ssyncadd.s32 $0xFFFFC000  }
0x49: {  	[hbm4b:s1+s2] =	stream.linear.scatter [tilespmem:s13], [sflag:$0xD], $0x4000, $0x38;
	[tilespmem:$0x1C400] =	vst v63  }
0x4a: {  	_ =	swait.ge [sflag:s18], $0x4000  }
0x4b: {  	[sflag:s18] =	ssyncset.done $0x0  }
0x4c: {  	s1 =	rddreg [dreg:$0xd];
	[sflag:s18] =	ssyncadd.s32 $0xFFFFC000  }
0x4d: {  	[hbm4b:s1+s2] =	stream.linear.scatter [tilespmem:s11], [sflag:$0xE], $0x4000, $0x38;
	[tilespmem:$0x1C400] =	vst v63  }
0x4e: {  	_ =	swait.ge [sflag:s8], $0x4000  }
0x4f: {  	[sflag:s8] =	ssyncset.done $0x0  }
0x50: {  	s1 =	rddreg [dreg:$0xe];
	[sflag:s8] =	ssyncadd.s32 $0xFFFFC000  }
0x51: {  	[hbm4b:s1+s2] =	stream.linear.scatter [tilespmem:s5], [sflag:$0x8], $0x4000, $0x38;
	[tilespmem:$0x1C400] =	vst v63  }
0x52: {  	_ =	swait.ge [sflag:s15], $0x4000  }
0x53: {  	[sflag:s15] =	ssyncset.done $0x0  }
0x54: {  	[sflag:s15] =	ssyncadd.s32 $0xFFFFC000  }
0x55: {  	_ =	swait.ge [sflag:s14], $0x4000  }
0x56: {  	[sflag:s14] =	ssyncset.done $0x0  }
0x57: {  	[sflag:s14] =	ssyncadd.s32 $0xFFFFC000  }
0x58: {  	_ =	swait.ge [sflag:s12], $0x4000  }
0x59: {  	[sflag:s12] =	ssyncset.done $0x0  }
0x5a: {  	[sflag:s12] =	ssyncadd.s32 $0xFFFFC000  }
0x5b: {  	_ =	swait.ge [sflag:s10], $0x4000  }
0x5c: {  	[sflag:s10] =	ssyncset.done $0x0  }
0x5d: {  	[sflag:s10] =	ssyncadd.s32 $0xFFFFC000  }
0x5e: {  	_ =	swait.ge [sflag:s9], $0x4000  }
0x5f: {  	[sflag:s9] =	ssyncset.done $0x0  }
0x60: {  	p1 =	sne.s32 s29, $0x1;
	[sflag:s9] =	ssyncadd.s32 $0xFFFFC000  }
.Ltmp1:
0x61: {  	_ =	swait.ge [sflag:s7], $0x4000;
	(pc) =	sbr.rel @!p1 .LBB2_3-.Ltmp1, $4  }
0x62: {  	[sflag:s7] =	ssyncset.done $0x0  }
0x63: {  	[sflag:s7] =	ssyncadd.s32 $0xFFFFC000  }
0x64: {  	p0 =	por $0x1, $0x1;
	_ =	swait.ge [sflag:s4], $0x4000  }
0x65: {  	s1 =	sadd.s32 $0xFFFFFFFF, s29;
	s0 =	rddreg [dreg:$0x6];
	[sflag:s4] =	ssyncset.done $0x0  }
.LBB2_4:
0x66: {  	[sflag:s4] =	ssyncadd.s32 $0xFFFFC000  }
0x67: {  	[tilespmem:s2], [sflag:$0xF] =	stream.linear.gather [hbm4b:s0+s2], $0x400, $0x38;
	[tilespmem:$0x1C400] =	vst v63  }
0x68: {  	_ =	swait.ge [sflag:s28], $0x400  }
0x69: {  	[sflag:s28] =	ssyncset.done $0x0  }
0x6a: {  	[sflag:s28] =	ssyncadd.s32 $0xFFFFFC00  }
0x6b: {  	[tilespmem:s5], [sflag:$0x1] =	stream.indirect.gather [hbm4b:s6+s21], $0x80, s2, s21, $0xb8;
	[tilespmem:$0x1C400] =	vst v63  }
0x6c: {  	_ = 	snop  }
0x6d: {  	[tilespmem:s22], [sflag:$0x2] =	stream.indirect.gather [hbm4b:s6+s21], $0x80, s21, s21, $0xb8;
	[tilespmem:$0x1C400] =	vst v63  }
0x6e: {  	s0 =	rddreg [dreg:$0xf]  }
0x6f: {  	[tilespmem:s19], [sflag:$0x3] =	stream.indirect.gather [hbm4b:s6+s21], $0x80, s0, s21, $0xb8;
	[tilespmem:$0x1C400] =	vst v63  }
0x70: {  	s29 =	rddreg [dreg:$0x10]  }
0x71: {  	[tilespmem:s17], [sflag:$0x4] =	stream.indirect.gather [hbm4b:s6+s21], $0x80, s29, s21, $0xb8;
	[tilespmem:$0x1C400] =	vst v63  }
0x72: {  	s0 =	rddreg [dreg:$0x11]  }
0x73: {  	[tilespmem:s16], [sflag:$0x5] =	stream.indirect.gather [hbm4b:s3+s21], $0x80, s0, s21, $0xb8;
	[tilespmem:$0x1C400] =	vst v63  }
0x74: {  	s29 =	simm.s32 $0x280  }
0x75: {  	[tilespmem:s13], [sflag:$0x6] =	stream.indirect.gather [hbm4b:s3+s21], $0x80, s29, s21, $0xb8;
	[tilespmem:$0x1C400] =	vst v63  }
0x76: {  	_ = 	snop  }
0x77: {  	[tilespmem:s11], [sflag:$0x7] =	stream.indirect.gather [hbm4b:s3+s21], $0x80, s31, s21, $0xb8;
	[tilespmem:$0x1C400] =	vst v63  }
0x78: {  	_ =	swait.ge [sflag:s8], $0x4000  }
0x79: {  	[sflag:s8] =	ssyncset.done $0x0  }
0x7a: {  	s29 =	rddreg [dreg:$0x7];
	[sflag:s8] =	ssyncadd.s32 $0xFFFFC000  }
0x7b: {  	[hbm4b:s29+s2] =	stream.linear.scatter [tilespmem:s5], [sflag:$0x8], $0x4000, $0x38;
	[tilespmem:$0x1C400] =	vst v63  }
0x7c: {  	_ =	swait.ge [sflag:s4], $0x4000  }
0x7d: {  	[sflag:s4] =	ssyncset.done $0x0  }
0x7e: {  	[sflag:s4] =	ssyncadd.s32 $0xFFFFC000  }
0x7f: {  	[tilespmem:s5], [sflag:$0x1] =	stream.indirect.gather [hbm4b:s3+s21], $0x80, s30, s21, $0xb8;
	[tilespmem:$0x1C400] =	vst v63  }
0x80: {  	_ =	swait.ge [sflag:s26], $0x4000  }
0x81: {  	[sflag:s26] =	ssyncset.done $0x0  }
0x82: {  	s29 =	rddreg [dreg:$0x8];
	[sflag:s26] =	ssyncadd.s32 $0xFFFFC000  }
0x83: {  	[hbm4b:s29+s2] =	stream.linear.scatter [tilespmem:s22], [sflag:$0x9], $0x4000, $0x38;
	[tilespmem:$0x1C400] =	vst v63  }
0x84: {  	_ =	swait.ge [sflag:s25], $0x4000  }
0x85: {  	[sflag:s25] =	ssyncset.done $0x0  }
0x86: {  	s29 =	rddreg [dreg:$0x9];
	[sflag:s25] =	ssyncadd.s32 $0xFFFFC000  }
0x87: {  	[hbm4b:s29+s2] =	stream.linear.scatter [tilespmem:s19], [sflag:$0xA], $0x4000, $0x38;
	[tilespmem:$0x1C400] =	vst v63  }
0x88: {  	_ =	swait.ge [sflag:s24], $0x4000  }
0x89: {  	[sflag:s24] =	ssyncset.done $0x0  }
0x8a: {  	s29 =	rddreg [dreg:$0xa];
	[sflag:s24] =	ssyncadd.s32 $0xFFFFC000  }
0x8b: {  	[hbm4b:s29+s2] =	stream.linear.scatter [tilespmem:s17], [sflag:$0xB], $0x4000, $0x38;
	[tilespmem:$0x1C400] =	vst v63  }
0x8c: {  	_ =	swait.ge [sflag:s23], $0x4000  }
0x8d: {  	[sflag:s23] =	ssyncset.done $0x0  }
0x8e: {  	s29 =	rddreg [dreg:$0xb];
	[sflag:s23] =	ssyncadd.s32 $0xFFFFC000  }
0x8f: {  	[hbm4b:s29+s2] =	stream.linear.scatter [tilespmem:s16], [sflag:$0xC], $0x4000, $0x38;
	[tilespmem:$0x1C400] =	vst v63  }
0x90: {  	_ =	swait.ge [sflag:s20], $0x4000  }
0x91: {  	[sflag:s20] =	ssyncset.done $0x0  }
0x92: {  	s29 =	rddreg [dreg:$0xc];
	[sflag:s20] =	ssyncadd.s32 $0xFFFFC000  }
0x93: {  	[hbm4b:s29+s2] =	stream.linear.scatter [tilespmem:s13], [sflag:$0xD], $0x4000, $0x38;
	[tilespmem:$0x1C400] =	vst v63  }
0x94: {  	_ =	swait.ge [sflag:s18], $0x4000  }
0x95: {  	[sflag:s18] =	ssyncset.done $0x0  }
0x96: {  	s29 =	rddreg [dreg:$0xd];
	[sflag:s18] =	ssyncadd.s32 $0xFFFFC000  }
0x97: {  	[hbm4b:s29+s2] =	stream.linear.scatter [tilespmem:s11], [sflag:$0xE], $0x4000, $0x38;
	[tilespmem:$0x1C400] =	vst v63  }
0x98: {  	_ =	swait.ge [sflag:s8], $0x4000  }
0x99: {  	[sflag:s8] =	ssyncset.done $0x0  }
0x9a: {  	s29 =	rddreg [dreg:$0xe];
	[sflag:s8] =	ssyncadd.s32 $0xFFFFC000  }
0x9b: {  	[hbm4b:s29+s2] =	stream.linear.scatter [tilespmem:s5], [sflag:$0x8], $0x4000, $0x38;
	[tilespmem:$0x1C400] =	vst v63  }
0x9c: {  	_ =	swait.ge [sflag:s15], $0x4000  }
0x9d: {  	[sflag:s15] =	ssyncset.done $0x0  }
0x9e: {  	[sflag:s15] =	ssyncadd.s32 $0xFFFFC000  }
0x9f: {  	_ =	swait.ge [sflag:s14], $0x4000  }
0xa0: {  	[sflag:s14] =	ssyncset.done $0x0  }
0xa1: {  	[sflag:s14] =	ssyncadd.s32 $0xFFFFC000  }
0xa2: {  	_ =	swait.ge [sflag:s12], $0x4000  }
0xa3: {  	[sflag:s12] =	ssyncset.done $0x0  }
0xa4: {  	[sflag:s12] =	ssyncadd.s32 $0xFFFFC000  }
0xa5: {  	_ =	swait.ge [sflag:s10], $0x4000  }
0xa6: {  	[sflag:s10] =	ssyncset.done $0x0  }
0xa7: {  	[sflag:s10] =	ssyncadd.s32 $0xFFFFC000  }
0xa8: {  	_ =	swait.ge [sflag:s9], $0x4000  }
0xa9: {  	[sflag:s9] =	ssyncset.done $0x0  }
0xaa: {  	p1 =	sne.s32 s1, $0x1;
	[sflag:s9] =	ssyncadd.s32 $0xFFFFC000  }
.Ltmp2:
0xab: {  	_ =	swait.ge [sflag:s7], $0x4000;
	(pc) =	sbr.rel @p1 .LBB2_4-.Ltmp2, $4  }
0xac: {  	[sflag:s7] =	ssyncset.done $0x0  }
0xad: {  	[sflag:s7] =	ssyncadd.s32 $0xFFFFC000  }
0xae: {  	_ =	swait.ge [sflag:s4], $0x4000  }
0xaf: {  	s1 =	sadd.s32 $0xFFFFFFFF, s1;
	s0 =	rddreg [dreg:$0x6];
	[sflag:s4] =	ssyncset.done $0x0  }
0xb0: {  	s29 =	simm.s32 $0x300;
	s31 =	simm.s32 $0x280;
	s30 =	simm.s32 $0x380  }
.LBB2_6:
0xb1: {  	[sflag:s4] =	ssyncadd.s32 @p0 $0xFFFFC000  }
0xb2: {  	[tilespmem:s2], [sflag:$0xF] =	stream.linear.gather [hbm4b:s0+s2], $0x400, $0x38;
	[tilespmem:$0x1C400] =	vst v63  }
0xb3: {  	_ =	swait.ge [sflag:s28], $0x400  }
0xb4: {  	[sflag:s28] =	ssyncset.done $0x0  }
0xb5: {  	[sflag:s28] =	ssyncadd.s32 $0xFFFFFC00  }
0xb6: {  	[tilespmem:s5], [sflag:$0x1] =	stream.indirect.gather [hbm4b:s6+s21], $0x80, s2, s21, $0xb8;
	[tilespmem:$0x1C400] =	vst v63  }
0xb7: {  	_ = 	snop  }
0xb8: {  	[tilespmem:s22], [sflag:$0x2] =	stream.indirect.gather [hbm4b:s6+s21], $0x80, s21, s21, $0xb8;
	[tilespmem:$0x1C400] =	vst v63  }
0xb9: {  	s28 =	rddreg [dreg:$0xf]  }
0xba: {  	[tilespmem:s19], [sflag:$0x3] =	stream.indirect.gather [hbm4b:s6+s21], $0x80, s28, s21, $0xb8;
	[tilespmem:$0x1C400] =	vst v63  }
0xbb: {  	s1 =	rddreg [dreg:$0x10]  }
0xbc: {  	[tilespmem:s17], [sflag:$0x4] =	stream.indirect.gather [hbm4b:s6+s21], $0x80, s1, s21, $0xb8;
	[tilespmem:$0x1C400] =	vst v63  }
0xbd: {  	s28 =	rddreg [dreg:$0x11]  }
0xbe: {  	[tilespmem:s16], [sflag:$0x5] =	stream.indirect.gather [hbm4b:s3+s21], $0x80, s28, s21, $0xb8;
	[tilespmem:$0x1C400] =	vst v63  }
0xbf: {  	_ = 	snop  }
0xc0: {  	[tilespmem:s13], [sflag:$0x6] =	stream.indirect.gather [hbm4b:s3+s21], $0x80, s31, s21, $0xb8;
	[tilespmem:$0x1C400] =	vst v63  }
0xc1: {  	_ = 	snop  }
0xc2: {  	[tilespmem:s11], [sflag:$0x7] =	stream.indirect.gather [hbm4b:s3+s21], $0x80, s29, s21, $0xb8;
	[tilespmem:$0x1C400] =	vst v63  }
0xc3: {  	_ =	swait.ge [sflag:s8], $0x4000  }
0xc4: {  	[sflag:s8] =	ssyncset.done $0x0  }
0xc5: {  	s6 =	rddreg [dreg:$0x7];
	[sflag:s8] =	ssyncadd.s32 $0xFFFFC000  }
0xc6: {  	[hbm4b:s6+s2] =	stream.linear.scatter [tilespmem:s5], [sflag:$0x8], $0x4000, $0x38;
	[tilespmem:$0x1C400] =	vst v63  }
0xc7: {  	_ =	swait.ge [sflag:s4], $0x4000  }
0xc8: {  	[sflag:s4] =	ssyncset.done $0x0  }
0xc9: {  	[sflag:s4] =	ssyncadd.s32 $0xFFFFC000  }
0xca: {  	[tilespmem:s5], [sflag:$0x1] =	stream.indirect.gather [hbm4b:s3+s21], $0x80, s30, s21, $0xb8;
	[tilespmem:$0x1C400] =	vst v63  }
0xcb: {  	_ =	swait.ge [sflag:s26], $0x4000  }
0xcc: {  	[sflag:s26] =	ssyncset.done $0x0  }
0xcd: {  	s21 =	rddreg [dreg:$0x8];
	[sflag:s26] =	ssyncadd.s32 $0xFFFFC000  }
0xce: {  	[hbm4b:s21+s2] =	stream.linear.scatter [tilespmem:s22], [sflag:$0x9], $0x4000, $0x38;
	[tilespmem:$0x1C400] =	vst v63  }
0xcf: {  	_ =	swait.ge [sflag:s25], $0x4000  }
0xd0: {  	[sflag:s25] =	ssyncset.done $0x0  }
0xd1: {  	s22 =	rddreg [dreg:$0x9];
	[sflag:s25] =	ssyncadd.s32 $0xFFFFC000  }
0xd2: {  	[hbm4b:s22+s2] =	stream.linear.scatter [tilespmem:s19], [sflag:$0xA], $0x4000, $0x38;
	[tilespmem:$0x1C400] =	vst v63  }
0xd3: {  	_ =	swait.ge [sflag:s24], $0x4000  }
0xd4: {  	[sflag:s24] =	ssyncset.done $0x0  }
0xd5: {  	s25 =	rddreg [dreg:$0xa];
	[sflag:s24] =	ssyncadd.s32 $0xFFFFC000  }
0xd6: {  	[hbm4b:s25+s2] =	stream.linear.scatter [tilespmem:s17], [sflag:$0xB], $0x4000, $0x38;
	[tilespmem:$0x1C400] =	vst v63  }
0xd7: {  	_ =	swait.ge [sflag:s23], $0x4000  }
0xd8: {  	[sflag:s23] =	ssyncset.done $0x0  }
0xd9: {  	s26 =	rddreg [dreg:$0xb];
	[sflag:s23] =	ssyncadd.s32 $0xFFFFC000  }
0xda: {  	[hbm4b:s26+s2] =	stream.linear.scatter [tilespmem:s16], [sflag:$0xC], $0x4000, $0x38;
	[tilespmem:$0x1C400] =	vst v63  }
0xdb: {  	_ =	swait.ge [sflag:s20], $0x4000  }
0xdc: {  	[sflag:s20] =	ssyncset.done $0x0  }
0xdd: {  	s28 =	rddreg [dreg:$0xc];
	[sflag:s20] =	ssyncadd.s32 $0xFFFFC000  }
0xde: {  	[hbm4b:s28+s2] =	stream.linear.scatter [tilespmem:s13], [sflag:$0xD], $0x4000, $0x38;
	[tilespmem:$0x1C400] =	vst v63  }
0xdf: {  	_ =	swait.ge [sflag:s18], $0x4000  }
0xe0: {  	[sflag:s18] =	ssyncset.done $0x0  }
0xe1: {  	s29 =	rddreg [dreg:$0xd];
	[sflag:s18] =	ssyncadd.s32 $0xFFFFC000  }
0xe2: {  	[hbm4b:s29+s2] =	stream.linear.scatter [tilespmem:s11], [sflag:$0xE], $0x4000, $0x38;
	[tilespmem:$0x1C400] =	vst v63  }
0xe3: {  	_ =	swait.ge [sflag:s8], $0x4000  }
0xe4: {  	[sflag:s8] =	ssyncset.done $0x0  }
0xe5: {  	s30 =	rddreg [dreg:$0xe];
	[sflag:s8] =	ssyncadd.s32 $0xFFFFC000  }
0xe6: {  	[hbm4b:s30+s2] =	stream.linear.scatter [tilespmem:s5], [sflag:$0x8], $0x4000, $0x38;
	[tilespmem:$0x1C400] =	vst v63  }
0xe7: {  	_ =	swait.ge [sflag:s15], $0x4000  }
0xe8: {  	[sflag:s15] =	ssyncset.done $0x0  }
0xe9: {  	[sflag:s15] =	ssyncadd.s32 $0xFFFFC000  }
0xea: {  	_ =	swait.ge [sflag:s14], $0x4000  }
0xeb: {  	[sflag:s14] =	ssyncset.done $0x0  }
0xec: {  	[sflag:s14] =	ssyncadd.s32 $0xFFFFC000  }
0xed: {  	_ =	swait.ge [sflag:s12], $0x4000  }
0xee: {  	[sflag:s12] =	ssyncset.done $0x0  }
0xef: {  	[sflag:s12] =	ssyncadd.s32 $0xFFFFC000  }
0xf0: {  	_ =	swait.ge [sflag:s10], $0x4000  }
0xf1: {  	[sflag:s10] =	ssyncset.done $0x0  }
0xf2: {  	[sflag:s10] =	ssyncadd.s32 $0xFFFFC000  }
0xf3: {  	_ =	swait.ge [sflag:s9], $0x4000  }
0xf4: {  	[sflag:s9] =	ssyncset.done $0x0  }
0xf5: {  	[sflag:s9] =	ssyncadd.s32 $0xFFFFC000  }
0xf6: {  	_ =	swait.ge [sflag:s7], $0x4000  }
0xf7: {  	[sflag:s7] =	ssyncset.done $0x0  }
0xf8: {  	[sflag:s7] =	ssyncadd.s32 $0xFFFFC000  }
0xf9: {  	_ =	swait.ge [sflag:s4], $0x4000  }
0xfa: {  	[sflag:s4] =	ssyncset.done $0x0  }
0xfb: {  	[sflag:s4] =	ssyncadd.s32 $0xFFFFC000  }
0xfc: {  	_ =	sfence.sel $0x180000  }
0xfd: {  	[bflag:$0x0] =	sbarrier.arrive $0xFFFF  }
0xfe: {  	_ =	strace $0x90000047  }
0xff: {  	s31 =	stileid.u32;
	[bflag:$0x2] =	sbarrier.arrive $0xFFFF  }
0x100: {  	p0 =	sne.s32 s31, $0x0;
	s0 =	rddreg [dreg:$0x5]  }
0x101: {  	s0 =	sadd.s32 @!p0 $0x100000, s0  }
0x102: {  	[sflag:s0] =	ssyncadd.tile.s32 @!p0 $0x1;
	_ =	shalt  }
.LBB2_1:
.Ltmp3:
0x103: {  	(pc) =	sbr.rel .LBB2_6-.Ltmp3, $2  }
0x104: {  	_ =	sdelay $0x2  }
0x105: {  	s29 =	simm.s32 $0x300;
	s31 =	simm.s32 $0x280;
	s30 =	simm.s32 $0x380  }
.LBB2_3:
.Ltmp4:
0x106: {  	(pc) =	sbr.rel .LBB2_6-.Ltmp4, $2  }
0x107: {  	_ =	sdelay $0x2  }
0x108: {  	s29 =	simm.s32 $0x300;
	s31 =	simm.s32 $0x280;
	s30 =	simm.s32 $0x380  }
.Lfunc_end2:
_tile_overlayer_lowered:
.L_overlay_start_2:
0x109: {  	(tag) =	ssettag $0x2  }
0x10a: {  	s0 =	rddreg [dreg:$0x0];
	s2 =	stileid.u32  }
0x10b: {  	s1 =	rddreg [dreg:$0x1];
	p0 =	sne.s32 s2, $0x0  }
0x10c: {  	s3 =	rddreg [dreg:$0x2];
	[bflag:$0x3] =	sbarrier.arrive $0xFFFF;
	s2 =	simm.s32 @!p0 $0x1C0F  }
0x10d: {  	[timem:s3], [sflag:s2] =	dma.local @!p0 [hbm:s0], s1  }
0x10e: {  	s0 =	simm.s32 @!p0 $0xF  }
0x10f: {  	_ =	swait.ge @!p0 [sflag:s0], s1  }
0x110: {  	s1 =	ssub.s32 @!p0 $0x0, s1;
	[sflag:s0] =	ssyncset.done @!p0 $0x0  }
0x111: {  	[sflag:s0] =	ssyncadd.s32 @!p0 s1  }
0x112: {  	[bflag:$0x3] =	sbarrier.arrive $0xFFFF  }
0x113: {  	_ =	shalt  }

</sc_bundles>
